<compile_context>
chip_gen: v7x
topology: tpu7x:2x2x1
jax: 0.10.2.dev20260603
libtpu: 0.0.44.dev20260713+nightly
codegen_flags: <defaults>
</compile_context>

<pallas_src>
import jax
import jax.numpy as jnp
from jax import lax
from jax.experimental import pallas as pl
from jax.experimental.pallas import tpu as pltpu
from jax.experimental.pallas import tpu_sc as plsc

B = 4096
M = 361
N2 = 361
MP = 384
TAB = 512
INT_MAX = 2147483647

NBKT = 2048
BSH = 20

NC = 2
NS = 16
NW = NC * NS
GAMES_PER_W = B // NW
CHUNK = 8
NCHUNK = GAMES_PER_W // CHUNK


def _i32(x):
    return jnp.asarray(x, jnp.int32)


def _sc_body(hist_hbm, mc_hbm, cur_hbm, pl_hbm, logits_hbm, ztab_hbm, zcol_hbm,
             out_hbm,
             ztab_v, zcol_v, lrank_v, mc_v, cur_v, pl_v,
             hist_v, logits_v, out_v, hit_v, bstart_v, sem_h, sem_l, sem_o, sem_t):
    wid = lax.axis_index("s") * NC + lax.axis_index("c")
    gbase = wid * GAMES_PER_W
    lanes = lax.iota(jnp.int32, 16)
    zeros16 = jnp.zeros((16,), jnp.int32)
    ones16 = jnp.ones((16,), jnp.int32)

    def full16(x):
        return jnp.full((16,), x, jnp.int32)

    def bsearch(base, q):
        lo = zeros16
        for s in (256, 128, 64, 32, 16, 8, 4, 2, 1):
            idx = lo + s
            probe = plsc.load_gather(ztab_v, [base + idx - 1])
            lo = jnp.where(probe < q, idx, lo)
        return lo

    def scan_search(bbases, tbases_g, qs):
        bkts = [jnp.maximum(q, 0) >> BSH for q in qs]
        los = [plsc.load_gather(bstart_v, [bb + bk])
               for bb, bk in zip(bbases, bkts)]

        def cond(c):
            return c[2]

        def body(c):
            los_c, _, _ = c
            probes = tuple(plsc.load_gather(ztab_v, [tb + lo])
                           for tb, lo in zip(tbases_g, los_c))
            advs = [p < q for p, q in zip(probes, qs)]
            cont = advs[0]
            for a in advs[1:]:
                cont = jnp.logical_or(cont, a)
            los_n = tuple(lo + a.astype(jnp.int32)
                          for lo, a in zip(los_c, advs))
            return (los_n, probes, jnp.any(cont))

        c = (tuple(los), tuple(qs), jnp.bool_(True))
        c = body(c)
        c = body(c)
        c = body(c)
        los, vals, _ = lax.while_loop(cond, body, c)
        return list(los), list(vals)

    pltpu.async_copy(ztab_hbm, ztab_v, sem_t)
    pltpu.async_copy(zcol_hbm, zcol_v, sem_t)
    pltpu.async_copy(mc_hbm.at[pl.ds(gbase, GAMES_PER_W)], mc_v, sem_t)
    pltpu.async_copy(cur_hbm.at[pl.ds(gbase, GAMES_PER_W)], cur_v, sem_t)
    pltpu.async_copy(pl_hbm.at[pl.ds(gbase, GAMES_PER_W)], pl_v, sem_t)

    def init_body(i, c3):
        plsc.store_scatter(hit_v, [i * 16 + lanes], full16(-1))
        return c3

    lax.fori_loop(0, CHUNK * TAB // 16, init_body, 0)

    def bz_body(i, c3):
        plsc.store_scatter(bstart_v, [i * 16 + lanes], zeros16)
        return c3

    lax.fori_loop(0, 2 * NBKT // 16, bz_body, 0)

    pltpu.make_async_copy(ztab_hbm, ztab_v, sem_t).wait()
    pltpu.make_async_copy(zcol_hbm, zcol_v, sem_t).wait()
    pltpu.make_async_copy(mc_hbm.at[pl.ds(gbase, GAMES_PER_W)], mc_v, sem_t).wait()
    pltpu.make_async_copy(cur_hbm.at[pl.ds(gbase, GAMES_PER_W)], cur_v, sem_t).wait()
    pltpu.make_async_copy(pl_hbm.at[pl.ds(gbase, GAMES_PER_W)], pl_v, sem_t).wait()

    def bh_body(t, c3):
        c = t // (MP // 16)
        zv = plsc.load_gather(zcol_v, [t * 16 + lanes])
        plsc.addupdate_scatter(bstart_v, [c * NBKT + (zv >> BSH)], ones16)
        return c3

    lax.fori_loop(0, 2 * (MP // 16), bh_body, 0)

    def _dg(vec, idx):
        return vec.at[idx].get(mode="promise_in_bounds")

    def make_scan_body(cbase):
        def bs_body(i, tot):
            off = cbase + i * 16 + lanes
            v = plsc.load_gather(bstart_v, [off])
            cs = plsc.cumsum(v)
            plsc.store_scatter(bstart_v, [off], cs - v + tot)
            return tot + _dg(cs, full16(15))
        return bs_body

    lax.fori_loop(0, NBKT // 16, make_scan_body(0), zeros16)
    lax.fori_loop(0, NBKT // 16, make_scan_body(NBKT), zeros16)

    def lr_body(t, carry):
        c = t // (MP // 16)
        j = t - c * (MP // 16)
        off = c * MP + j * 16 + lanes
        zv = plsc.load_gather(zcol_v, [off])
        lo = bsearch(c * TAB, zv)
        plsc.store_scatter(lrank_v, [off], lo)
        return carry

    lax.fori_loop(0, 2 * (MP // 16), lr_body, 0)

    def chunk_body(ch, carry):
        g0 = gbase + ch * CHUNK
        boff = (ch & 1) * CHUNK
        pltpu.make_async_copy(hist_hbm.at[pl.ds(g0, CHUNK)],
                              hist_v.at[pl.ds(boff, CHUNK)], sem_h).wait()
        pltpu.make_async_copy(logits_hbm.at[pl.ds(g0, CHUNK)],
                              logits_v.at[pl.ds(boff, CHUNK)], sem_l).wait()

        @pl.when(ch + 1 < NCHUNK)
        def _prefetch():
            nb = ((ch + 1) & 1) * CHUNK
            ng = gbase + (ch + 1) * CHUNK
            pltpu.async_copy(hist_hbm.at[pl.ds(ng, CHUNK)],
                             hist_v.at[pl.ds(nb, CHUNK)], sem_h)
            pltpu.async_copy(logits_hbm.at[pl.ds(ng, CHUNK)],
                             logits_v.at[pl.ds(nb, CHUNK)], sem_l)

        def game_body(gl, carry2):
            P = 2
            gls = [gl * P + p for p in range(P)]
            glivs = [full16(boff + g) for g in gls]
            givs = [full16(ch * CHUNK + g) for g in gls]
            mcs_ = [plsc.load_gather(mc_v, [giv]) for giv in givs]
            curs = [plsc.load_gather(cur_v, [giv]) for giv in givs]
            plys = [plsc.load_gather(pl_v, [giv]) for giv in givs]
            tbases = [ply * TAB for ply in plys]
            bbases = [ply * NBKT for ply in plys]
            hbases = [full16(g * TAB) for g in gls]

            nquads = (jnp.maximum(jnp.max(mcs_[0]), jnp.max(mcs_[1])) + 64) >> 6

            def search_body(jj, c3):
                ms = [jj * 64 + k * 16 + lanes for k in range(4)]
                qs, los = [], []
                for p in range(P):
                    hs = [plsc.load_gather(hist_v,
                                           [glivs[p], jnp.minimum(m, M - 1)])
                          for m in ms]
                    qs += [jnp.where(m < mcs_[p], h, jnp.int32(INT_MAX))
                           ^ curs[p] for m, h in zip(ms, hs)]
                los, vals = scan_search(
                    [bbases[k // 4] for k in range(4 * P)],
                    [tbases[k // 4] for k in range(4 * P)], qs)
                for p in range(P):
                    for k in range(4):
                        lo, q, v = los[p * 4 + k], qs[p * 4 + k], vals[p * 4 + k]
                        plsc.store_scatter(hit_v, [hbases[p] + lo], givs[p],
                                           mask=v == q)
                return c3

            lax.fori_loop(0, nquads, search_body, 0)

            lbases = [ply * MP for ply in plys]

            def mask_body(jj, c3):
                ns = [jj * 64 + k * 16 + lanes for k in range(4)]
                ncs = [jnp.minimum(n, N2 - 1) for n in ns]
                for p in range(P):
                    rs = [plsc.load_gather(lrank_v, [lbases[p] + nc])
                          for nc in ncs]
                    ts = [plsc.load_gather(hit_v, [hbases[p] + r]) for r in rs]
                    gs = [plsc.load_gather(logits_v, [glivs[p], nc])
                          for nc in ncs]
                    for n, nc, t, g in zip(ns, ncs, ts, gs):
                        plsc.store_scatter(out_v, [glivs[p], nc],
                                           jnp.where(t == givs[p], 0.0, g),
                                           mask=n < N2)
                return c3

            lax.fori_loop(0, MP // 64, mask_body, 0)
            return carry2

        lax.fori_loop(0, CHUNK // 2, game_body, 0)
        pltpu.async_copy(out_v.at[pl.ds(boff, CHUNK)],
                         out_hbm.at[pl.ds(g0, CHUNK)], sem_o)

        @pl.when(ch >= 1)
        def _drain_prev():
            pb = ((ch - 1) & 1) * CHUNK
            pg = gbase + (ch - 1) * CHUNK
            pltpu.make_async_copy(out_v.at[pl.ds(pb, CHUNK)],
                                  out_hbm.at[pl.ds(pg, CHUNK)], sem_o).wait()

        return carry

    pltpu.async_copy(hist_hbm.at[pl.ds(gbase, CHUNK)],
                     hist_v.at[pl.ds(0, CHUNK)], sem_h)
    pltpu.async_copy(logits_hbm.at[pl.ds(gbase, CHUNK)],
                     logits_v.at[pl.ds(0, CHUNK)], sem_l)
    lax.fori_loop(0, NCHUNK, chunk_body, 0)
    lb = ((NCHUNK - 1) & 1) * CHUNK
    lg0 = gbase + (NCHUNK - 1) * CHUNK
    pltpu.make_async_copy(out_v.at[pl.ds(lb, CHUNK)],
                          out_hbm.at[pl.ds(lg0, CHUNK)], sem_o).wait()


@jax.jit
def kernel(hash_history, move_count, current_hash, player, legal_logits, zobrist):
    z1 = _i32(zobrist[:, 1])
    z2 = _i32(zobrist[:, 2])
    pad_tab = jnp.full((TAB - N2,), INT_MAX, jnp.int32)
    ztab = jnp.concatenate([jnp.sort(z1), pad_tab, jnp.sort(z2), pad_tab])
    pad_col = jnp.full((MP - N2,), INT_MAX, jnp.int32)
    zcol = jnp.concatenate([z1, pad_col, z2, pad_col])

    mesh = plsc.VectorSubcoreMesh(core_axis_name="c", subcore_axis_name="s",
                                  num_cores=NC, num_subcores=NS)
    out = pl.kernel(
        _sc_body,
        out_type=jax.ShapeDtypeStruct((B, N2), jnp.float32),
        mesh=mesh,
        compiler_params=pltpu.CompilerParams(needs_layout_passes=False),
        scratch_types=[
            pltpu.VMEM((2 * TAB,), jnp.int32),
            pltpu.VMEM((2 * MP,), jnp.int32),
            pltpu.VMEM((2 * MP,), jnp.int32),
            pltpu.VMEM((GAMES_PER_W,), jnp.int32),
            pltpu.VMEM((GAMES_PER_W,), jnp.int32),
            pltpu.VMEM((GAMES_PER_W,), jnp.int32),
            pltpu.VMEM((2 * CHUNK, M), jnp.int32),
            pltpu.VMEM((2 * CHUNK, N2), jnp.float32),
            pltpu.VMEM((2 * CHUNK, N2), jnp.float32),
            pltpu.VMEM((CHUNK * TAB,), jnp.int32),
            pltpu.VMEM((2 * NBKT,), jnp.int32),
            pltpu.SemaphoreType.DMA,
            pltpu.SemaphoreType.DMA,
            pltpu.SemaphoreType.DMA,
            pltpu.SemaphoreType.DMA,
        ],
    )(_i32(hash_history), _i32(move_count), _i32(current_hash), _i32(player),
      legal_logits.astype(jnp.float32), ztab, zcol)
    return out

# --- scband reference (transcript-rebuilt; emitter-appended) ---
"""Pipeline reference for scband-tensor-board-4423816315114 (READ-ONLY COPY).

The authoritative reference and input builder live on the scoring server;
editing this copy changes nothing except your own understanding.
"""

import jax, jax.numpy as jnp
import numpy as np

B = 4096
M = 361  # max_moves = board_size^2 * history_factor
N2 = 361  # board positions


def setup_inputs(seed: int = 0) -> dict:
    key = jax.random.key(seed)
    k1, k2, k3, k4, k5, k6 = jax.random.split(key, 6)
    hash_history = jax.random.randint(k1, (B, M), 0, 2147483647, dtype=jnp.int32)
    move_count = jax.random.randint(k2, (B,), 0, M, dtype=jnp.int32)
    current_hash = jax.random.randint(k3, (B,), 0, 2147483647, dtype=jnp.int32)
    player = jax.random.randint(k4, (B,), 0, 2, dtype=jnp.int32)
    legal_logits = jax.random.normal(k5, (B, N2), dtype=jnp.float32)
    zobrist = jax.random.randint(k6, (N2, 3), 0, 2147483647, dtype=jnp.int32)
    return {
        'hash_history': hash_history,
        'move_count': move_count,
        'current_hash': current_hash,
        'player': player,
        'legal_logits': legal_logits,
        'zobrist': zobrist,
    }


def reference(hash_history, move_count, current_hash, player, legal_logits, zobrist):
    # Super-ko repeat detection core of TensorBoard.legal_moves /
    # _filter_super_ko_vectorized + _repeat_mask_from_history.
    # 1) candidate new Zobrist hash for placing current player's stone at every point
    color = player.astype(jnp.int32) + 1  # channel 0 is empty; 1/2 are stone colors
    zT = zobrist.T  # [3, N2]
    z_color = jnp.take(zT, color, axis=0)  # [B, N2]
    new_hash = jnp.bitwise_xor(current_hash[:, None], z_color)  # [B, N2] int32
    # 2) mask invalid history slots (beyond move_count) then sort per game
    INT_MAX = jnp.int32(2147483647)
    valid = jnp.arange(M, dtype=jnp.int32)[None, :] < move_count[:, None]
    hist_masked = jnp.where(valid, hash_history, INT_MAX)  # _hist_masked buffer
    hist_sorted = jnp.sort(hist_masked, axis=1)            # _hist_sorted buffer
    # 3) binary search each candidate hash into the sorted history (histogram-bin search)
    search_idx = jax.vmap(lambda h, q: jnp.searchsorted(h, q))(hist_sorted, new_hash)
    idx_c = jnp.clip(search_idx, 0, M - 1)
    gathered = jnp.take_along_axis(hist_sorted, idx_c, axis=1)  # _gathered_val buffer
    is_repeat = (gathered == new_hash) & (search_idx < M)       # _is_repeat_buffer
    # 4) filter legal-move scores by the super-ko repeat mask
    out = legal_logits * (1.0 - is_repeat.astype(jnp.float32))
    return out

if __name__ == "__main__":
    import jax
    _d = setup_inputs()
    print(jax.jit(kernel)(*tuple(_d.values())))

</pallas_src>

<mosaic_0001>
#map = affine_map<(d0, d1) -> (0, 0)>
#map1 = affine_map<(d0, d1) -> (0)>
module attributes {stable_mosaic.version = 14 : i64} {
  func.func @_sc_body(%arg0: i32, %arg1: i32, %arg2: memref<4096x361xi32, #tpu.memory_space<hbm>>, %arg3: memref<4096xi32, #tpu.memory_space<hbm>>, %arg4: memref<4096xi32, #tpu.memory_space<hbm>>, %arg5: memref<4096xi32, #tpu.memory_space<hbm>>, %arg6: memref<4096x361xf32, #tpu.memory_space<hbm>>, %arg7: memref<1024xi32, #tpu.memory_space<hbm>>, %arg8: memref<768xi32, #tpu.memory_space<hbm>>, %arg9: memref<4096x361xf32, #tpu.memory_space<hbm>>, %arg10: memref<1024xi32, #tpu.memory_space<vmem>>, %arg11: memref<768xi32, #tpu.memory_space<vmem>>, %arg12: memref<768xi32, #tpu.memory_space<vmem>>, %arg13: memref<128xi32, #tpu.memory_space<vmem>>, %arg14: memref<128xi32, #tpu.memory_space<vmem>>, %arg15: memref<128xi32, #tpu.memory_space<vmem>>, %arg16: memref<16x361xi32, #tpu.memory_space<vmem>>, %arg17: memref<16x361xf32, #tpu.memory_space<vmem>>, %arg18: memref<16x361xf32, #tpu.memory_space<vmem>>, %arg19: memref<4096xi32, #tpu.memory_space<vmem>>, %arg20: memref<4096xi32, #tpu.memory_space<vmem>>, %arg21: memref<!tpu.dma_semaphore, #tpu.memory_space<semaphore_mem>>, %arg22: memref<!tpu.dma_semaphore, #tpu.memory_space<semaphore_mem>>, %arg23: memref<!tpu.dma_semaphore, #tpu.memory_space<semaphore_mem>>, %arg24: memref<!tpu.dma_semaphore, #tpu.memory_space<semaphore_mem>>) attributes {dimension_semantics = [#tpu.dimension_semantics<core_parallel>, #tpu.dimension_semantics<subcore_parallel>], iteration_bounds = array<i64: 2, 16>, scalar_prefetch = 0 : i64, scratch_operands = 15 : i64, tpu.core_type = #tpu.core_type<sc_vector_subcore>, window_params = [{transform_indices = #map}, {transform_indices = #map1}, {transform_indices = #map1}, {transform_indices = #map1}, {transform_indices = #map}, {transform_indices = #map1}, {transform_indices = #map1}, {transform_indices = #map}]} {
    %mul3A = arith.constant 2 : i32
    %mul3A_0 = arith.muli %arg1, %mul3A : i32
    %add3A = arith.addi %mul3A_0, %arg0 : i32
    %mul3A_1 = arith.constant 128 : i32
    %mul3A_2 = arith.muli %add3A, %mul3A_1 : i32
    %iota3A = tpu.iota {dimensions = array<i32: 0>} : vector<16xi32>
    %broadcast_in_dim3A = arith.constant 0 : i32
    %broadcast_in_dim3A_3 = vector.broadcast %broadcast_in_dim3A : i32 to vector<16xi32>
    %broadcast_in_dim3A_4 = arith.constant 1 : i32
    %broadcast_in_dim3A_5 = vector.broadcast %broadcast_in_dim3A_4 : i32 to vector<16xi32>
    tpu.enqueue_dma source(%arg7 : memref<1024xi32, #tpu.memory_space<hbm>>) target(%arg10 : memref<1024xi32, #tpu.memory_space<vmem>>) target_semaphore(%arg24 : memref<!tpu.dma_semaphore, #tpu.memory_space<semaphore_mem>>)
    tpu.enqueue_dma source(%arg8 : memref<768xi32, #tpu.memory_space<hbm>>) target(%arg11 : memref<768xi32, #tpu.memory_space<vmem>>) target_semaphore(%arg24 : memref<!tpu.dma_semaphore, #tpu.memory_space<semaphore_mem>>)
    %dma_start3A = tpu.memref_slice %arg3[%mul3A_2] : memref<4096xi32, #tpu.memory_space<hbm>> -> memref<128xi32, #tpu.memory_space<hbm>>
    %dma_start3A_6 = tpu.memref_slice %arg3[%mul3A_2] : memref<4096xi32, #tpu.memory_space<hbm>> -> memref<128xi32, #tpu.memory_space<hbm>>
    tpu.enqueue_dma source(%dma_start3A_6 : memref<128xi32, #tpu.memory_space<hbm>>) target(%arg13 : memref<128xi32, #tpu.memory_space<vmem>>) target_semaphore(%arg24 : memref<!tpu.dma_semaphore, #tpu.memory_space<semaphore_mem>>)
    %dma_start3A_7 = tpu.memref_slice %arg4[%mul3A_2] : memref<4096xi32, #tpu.memory_space<hbm>> -> memref<128xi32, #tpu.memory_space<hbm>>
    %dma_start3A_8 = tpu.memref_slice %arg4[%mul3A_2] : memref<4096xi32, #tpu.memory_space<hbm>> -> memref<128xi32, #tpu.memory_space<hbm>>
    tpu.enqueue_dma source(%dma_start3A_8 : memref<128xi32, #tpu.memory_space<hbm>>) target(%arg14 : memref<128xi32, #tpu.memory_space<vmem>>) target_semaphore(%arg24 : memref<!tpu.dma_semaphore, #tpu.memory_space<semaphore_mem>>)
    %dma_start3A_9 = tpu.memref_slice %arg5[%mul3A_2] : memref<4096xi32, #tpu.memory_space<hbm>> -> memref<128xi32, #tpu.memory_space<hbm>>
    %dma_start3A_10 = tpu.memref_slice %arg5[%mul3A_2] : memref<4096xi32, #tpu.memory_space<hbm>> -> memref<128xi32, #tpu.memory_space<hbm>>
    tpu.enqueue_dma source(%dma_start3A_10 : memref<128xi32, #tpu.memory_space<hbm>>) target(%arg15 : memref<128xi32, #tpu.memory_space<vmem>>) target_semaphore(%arg24 : memref<!tpu.dma_semaphore, #tpu.memory_space<semaphore_mem>>)
    %scan3A = arith.constant 0 : i32
    %scan3A_11 = arith.constant 0 : i32
    %scan3A_12 = arith.constant 256 : i32
    %scan3A_13 = arith.addi %scan3A_11, %scan3A_12 : i32
    %scan3A_14 = arith.constant 1 : i32
    scf.for %scan3A_89 = %scan3A_11 to %scan3A_13 step %scan3A_14  : i32 {
      %mul3A_90 = arith.constant 16 : i32
      %mul3A_91 = arith.muli %scan3A_89, %mul3A_90 : i32
      %add3A_92 = vector.broadcast %mul3A_91 : i32 to vector<16xi32>
      %add3A_93 = arith.addi %add3A_92, %iota3A : vector<16xi32>
      %broadcast_in_dim3A_94 = arith.constant -1 : i32
      %broadcast_in_dim3A_95 = vector.broadcast %broadcast_in_dim3A_94 : i32 to vector<16xi32>
      tpu.vector_store_idx %arg19[%add3A_93], %broadcast_in_dim3A_95 : memref<4096xi32, #tpu.memory_space<vmem>>[vector<16xi32>], vector<16xi32>,
    }
    %scan3A_15 = arith.constant 256 : i32
    %scan3A_16 = arith.constant 0 : i32
    %scan3A_17 = arith.constant 0 : i32
    %scan3A_18 = arith.constant 256 : i32
    %scan3A_19 = arith.addi %scan3A_17, %scan3A_18 : i32
    %scan3A_20 = arith.constant 1 : i32
    scf.for %scan3A_89 = %scan3A_17 to %scan3A_19 step %scan3A_20  : i32 {
      %mul3A_90 = arith.constant 16 : i32
      %mul3A_91 = arith.muli %scan3A_89, %mul3A_90 : i32
      %add3A_92 = vector.broadcast %mul3A_91 : i32 to vector<16xi32>
      %add3A_93 = arith.addi %add3A_92, %iota3A : vector<16xi32>
      tpu.vector_store_idx %arg20[%add3A_93], %broadcast_in_dim3A_3 : memref<4096xi32, #tpu.memory_space<vmem>>[vector<16xi32>], vector<16xi32>,
    }
    %scan3A_21 = arith.constant 256 : i32
    tpu.wait_dma2 semaphore(%arg24 : memref<!tpu.dma_semaphore, #tpu.memory_space<semaphore_mem>>) src(%arg7 : memref<1024xi32, #tpu.memory_space<hbm>>) dst(%arg10 : memref<1024xi32, #tpu.memory_space<vmem>>)
    tpu.wait_dma2 semaphore(%arg24 : memref<!tpu.dma_semaphore, #tpu.memory_space<semaphore_mem>>) src(%arg8 : memref<768xi32, #tpu.memory_space<hbm>>) dst(%arg11 : memref<768xi32, #tpu.memory_space<vmem>>)
    %dma_wait3A = tpu.memref_slice %arg3[%mul3A_2] : memref<4096xi32, #tpu.memory_space<hbm>> -> memref<128xi32, #tpu.memory_space<hbm>>
    %dma_wait3A_22 = tpu.memref_slice %arg3[%mul3A_2] : memref<4096xi32, #tpu.memory_space<hbm>> -> memref<128xi32, #tpu.memory_space<hbm>>
    tpu.wait_dma2 semaphore(%arg24 : memref<!tpu.dma_semaphore, #tpu.memory_space<semaphore_mem>>) src(%dma_wait3A_22 : memref<128xi32, #tpu.memory_space<hbm>>) dst(%arg13 : memref<128xi32, #tpu.memory_space<vmem>>)
    %dma_wait3A_23 = tpu.memref_slice %arg4[%mul3A_2] : memref<4096xi32, #tpu.memory_space<hbm>> -> memref<128xi32, #tpu.memory_space<hbm>>
    %dma_wait3A_24 = tpu.memref_slice %arg4[%mul3A_2] : memref<4096xi32, #tpu.memory_space<hbm>> -> memref<128xi32, #tpu.memory_space<hbm>>
    tpu.wait_dma2 semaphore(%arg24 : memref<!tpu.dma_semaphore, #tpu.memory_space<semaphore_mem>>) src(%dma_wait3A_24 : memref<128xi32, #tpu.memory_space<hbm>>) dst(%arg14 : memref<128xi32, #tpu.memory_space<vmem>>)
    %dma_wait3A_25 = tpu.memref_slice %arg5[%mul3A_2] : memref<4096xi32, #tpu.memory_space<hbm>> -> memref<128xi32, #tpu.memory_space<hbm>>
    %dma_wait3A_26 = tpu.memref_slice %arg5[%mul3A_2] : memref<4096xi32, #tpu.memory_space<hbm>> -> memref<128xi32, #tpu.memory_space<hbm>>
    tpu.wait_dma2 semaphore(%arg24 : memref<!tpu.dma_semaphore, #tpu.memory_space<semaphore_mem>>) src(%dma_wait3A_26 : memref<128xi32, #tpu.memory_space<hbm>>) dst(%arg15 : memref<128xi32, #tpu.memory_space<vmem>>)
    %scan3A_27 = arith.constant 0 : i32
    %scan3A_28 = arith.constant 0 : i32
    %scan3A_29 = arith.constant 48 : i32
    %scan3A_30 = arith.addi %scan3A_28, %scan3A_29 : i32
    %scan3A_31 = arith.constant 1 : i32
    scf.for %scan3A_89 = %scan3A_28 to %scan3A_30 step %scan3A_31  : i32 {
      %jit3A = arith.constant 24 : i32
      %div3A = arith.divsi %scan3A_89, %jit3A : i32
      %sign3A = arith.constant 0 : i32
      %sign3A_90 = arith.cmpi sgt, %scan3A_89, %sign3A : i32
      %sign3A_91 = arith.extui %sign3A_90 : i1 to i32
      %sign3A_92 = arith.constant 0 : i32
      %sign3A_93 = arith.cmpi slt, %scan3A_89, %sign3A_92 : i32
      %sign3A_94 = arith.extui %sign3A_93 : i1 to i32
      %sign3A_95 = arith.subi %sign3A_91, %sign3A_94 : i32
      %sign3A_96 = arith.constant 0 : i32
      %sign3A_97 = arith.cmpi sgt, %jit3A, %sign3A_96 : i32
      %sign3A_98 = arith.extui %sign3A_97 : i1 to i32
      %sign3A_99 = arith.constant 0 : i32
      %sign3A_100 = arith.cmpi slt, %jit3A, %sign3A_99 : i32
      %sign3A_101 = arith.extui %sign3A_100 : i1 to i32
      %sign3A_102 = arith.subi %sign3A_98, %sign3A_101 : i32
      %ne3A = arith.cmpi ne, %sign3A_95, %sign3A_102 : i32
      %rem3A = arith.remsi %scan3A_89, %jit3A : i32
      %ne3A_103 = arith.constant 0 : i32
      %ne3A_104 = arith.cmpi ne, %rem3A, %ne3A_103 : i32
      %and3A = arith.andi %ne3A, %ne3A_104 : i1
      %sub3A = arith.constant 1 : i32
      %sub3A_105 = arith.subi %div3A, %sub3A : i32
      %select_n3A = arith.select %and3A, %sub3A_105, %div3A : i32
      %mul3A_106 = arith.constant 16 : i32
      %mul3A_107 = arith.muli %scan3A_89, %mul3A_106 : i32
      %add3A_108 = vector.broadcast %mul3A_107 : i32 to vector<16xi32>
      %add3A_109 = arith.addi %add3A_108, %iota3A : vector<16xi32>
      %gather3A = tpu.vector_load_idx %arg11[%add3A_109] : memref<768xi32, #tpu.memory_space<vmem>>[vector<16xi32>], vector<16xi32>,
      %mul3A_110 = arith.constant 2048 : i32
      %mul3A_111 = arith.muli %select_n3A, %mul3A_110 : i32
      %shift_right_arithmetic3A = arith.constant 20 : i32
      %shift_right_arithmetic3A_112 = vector.broadcast %shift_right_arithmetic3A : i32 to vector<16xi32>
      %shift_right_arithmetic3A_113 = arith.shrsi %gather3A, %shift_right_arithmetic3A_112 : vector<16xi32>
      %add3A_114 = vector.broadcast %mul3A_111 : i32 to vector<16xi32>
      %add3A_115 = arith.addi %add3A_114, %shift_right_arithmetic3A_113 : vector<16xi32>
      tpu.vector_store_idx %arg20[%add3A_115], %broadcast_in_dim3A_5 {add = true} : memref<4096xi32, #tpu.memory_space<vmem>>[vector<16xi32>], vector<16xi32>,
    }
    %scan3A_32 = arith.constant 48 : i32
    %scan3A_33 = arith.constant 0 : i32
    %scan3A_34 = arith.constant 128 : i32
    %scan3A_35 = arith.addi %scan3A_33, %scan3A_34 : i32
    %scan3A_36 = arith.constant 1 : i32
    %scan3A_37 = scf.for %scan3A_89 = %scan3A_33 to %scan3A_35 step %scan3A_36 iter_args(%scan3A_90 = %broadcast_in_dim3A_3) -> (vector<16xi32>)  : i32 {
      %mul3A_91 = arith.constant 16 : i32
      %mul3A_92 = arith.muli %scan3A_89, %mul3A_91 : i32
      %add3A_93 = arith.constant 0 : i32
      %add3A_94 = arith.addi %add3A_93, %mul3A_92 : i32
      %add3A_95 = vector.broadcast %add3A_94 : i32 to vector<16xi32>
      %add3A_96 = arith.addi %add3A_95, %iota3A : vector<16xi32>
      %gather3A = tpu.vector_load_idx %arg20[%add3A_96] : memref<4096xi32, #tpu.memory_space<vmem>>[vector<16xi32>], vector<16xi32>,
      %broadcast_in_dim3A_97 = arith.constant true
      %broadcast_in_dim3A_98 = vector.broadcast %broadcast_in_dim3A_97 : i1 to vector<16xi1>
      %masked_cumsum3A = tpu.scan <sum>, %gather3A masked %broadcast_in_dim3A_98 : vector<16xi32>, vector<16xi1> -> vector<16xi32>
      %sub3A = arith.subi %masked_cumsum3A, %gather3A : vector<16xi32>
      %add3A_99 = arith.addi %sub3A, %scan3A_90 : vector<16xi32>
      tpu.vector_store_idx %arg20[%add3A_96], %add3A_99 : memref<4096xi32, #tpu.memory_space<vmem>>[vector<16xi32>], vector<16xi32>,
      %broadcast_in_dim3A_100 = arith.constant 15 : i32
      %broadcast_in_dim3A_101 = vector.broadcast %broadcast_in_dim3A_100 : i32 to vector<16xi32>
      %lt3A = arith.constant 0 : i32
      %lt3A_102 = vector.broadcast %lt3A : i32 to vector<16xi32>
      %lt3A_103 = arith.cmpi slt, %broadcast_in_dim3A_101, %lt3A_102 : vector<16xi32>
      %add3A_104 = arith.constant 16 : i32
      %add3A_105 = vector.broadcast %add3A_104 : i32 to vector<16xi32>
      %add3A_106 = arith.addi %broadcast_in_dim3A_101, %add3A_105 : vector<16xi32>
      %select_n3A = arith.select %lt3A_103, %add3A_106, %broadcast_in_dim3A_101 : vector<16xi1>, vector<16xi32>
      %broadcast_in_dim3A_107 = vector.shape_cast %select_n3A : vector<16xi32> to vector<16x1xi32>
      %gather3A_108 = vector.shape_cast %broadcast_in_dim3A_107 : vector<16x1xi32> to vector<16xi32>
      %gather3A_109 = tpu.dynamic_gather %masked_cumsum3A[%gather3A_108] in [0] : vector<16xi32>, vector<16xi32> -> vector<16xi32>
      %add3A_110 = arith.addi %scan3A_90, %gather3A_109 : vector<16xi32>
      scf.yield %add3A_110 : vector<16xi32>
    }
    %scan3A_38 = arith.constant 128 : i32
    %scan3A_39 = arith.constant 0 : i32
    %scan3A_40 = arith.constant 128 : i32
    %scan3A_41 = arith.addi %scan3A_39, %scan3A_40 : i32
    %scan3A_42 = arith.constant 1 : i32
    %scan3A_43 = scf.for %scan3A_89 = %scan3A_39 to %scan3A_41 step %scan3A_42 iter_args(%scan3A_90 = %broadcast_in_dim3A_3) -> (vector<16xi32>)  : i32 {
      %mul3A_91 = arith.constant 16 : i32
      %mul3A_92 = arith.muli %scan3A_89, %mul3A_91 : i32
      %add3A_93 = arith.constant 2048 : i32
      %add3A_94 = arith.addi %add3A_93, %mul3A_92 : i32
      %add3A_95 = vector.broadcast %add3A_94 : i32 to vector<16xi32>
      %add3A_96 = arith.addi %add3A_95, %iota3A : vector<16xi32>
      %gather3A = tpu.vector_load_idx %arg20[%add3A_96] : memref<4096xi32, #tpu.memory_space<vmem>>[vector<16xi32>], vector<16xi32>,
      %broadcast_in_dim3A_97 = arith.constant true
      %broadcast_in_dim3A_98 = vector.broadcast %broadcast_in_dim3A_97 : i1 to vector<16xi1>
      %masked_cumsum3A = tpu.scan <sum>, %gather3A masked %broadcast_in_dim3A_98 : vector<16xi32>, vector<16xi1> -> vector<16xi32>
      %sub3A = arith.subi %masked_cumsum3A, %gather3A : vector<16xi32>
      %add3A_99 = arith.addi %sub3A, %scan3A_90 : vector<16xi32>
      tpu.vector_store_idx %arg20[%add3A_96], %add3A_99 : memref<4096xi32, #tpu.memory_space<vmem>>[vector<16xi32>], vector<16xi32>,
      %broadcast_in_dim3A_100 = arith.constant 15 : i32
      %broadcast_in_dim3A_101 = vector.broadcast %broadcast_in_dim3A_100 : i32 to vector<16xi32>
      %lt3A = arith.constant 0 : i32
      %lt3A_102 = vector.broadcast %lt3A : i32 to vector<16xi32>
      %lt3A_103 = arith.cmpi slt, %broadcast_in_dim3A_101, %lt3A_102 : vector<16xi32>
      %add3A_104 = arith.constant 16 : i32
      %add3A_105 = vector.broadcast %add3A_104 : i32 to vector<16xi32>
      %add3A_106 = arith.addi %broadcast_in_dim3A_101, %add3A_105 : vector<16xi32>
      %select_n3A = arith.select %lt3A_103, %add3A_106, %broadcast_in_dim3A_101 : vector<16xi1>, vector<16xi32>
      %broadcast_in_dim3A_107 = vector.shape_cast %select_n3A : vector<16xi32> to vector<16x1xi32>
      %gather3A_108 = vector.shape_cast %broadcast_in_dim3A_107 : vector<16x1xi32> to vector<16xi32>
      %gather3A_109 = tpu.dynamic_gather %masked_cumsum3A[%gather3A_108] in [0] : vector<16xi32>, vector<16xi32> -> vector<16xi32>
      %add3A_110 = arith.addi %scan3A_90, %gather3A_109 : vector<16xi32>
      scf.yield %add3A_110 : vector<16xi32>
    }
    %scan3A_44 = arith.constant 128 : i32
    %scan3A_45 = arith.constant 0 : i32
    %scan3A_46 = arith.constant 0 : i32
    %scan3A_47 = arith.constant 48 : i32
    %scan3A_48 = arith.addi %scan3A_46, %scan3A_47 : i32
    %scan3A_49 = arith.constant 1 : i32
    scf.for %scan3A_89 = %scan3A_46 to %scan3A_48 step %scan3A_49  : i32 {
      %jit3A = arith.constant 24 : i32
      %div3A = arith.divsi %scan3A_89, %jit3A : i32
      %sign3A = arith.constant 0 : i32
      %sign3A_90 = arith.cmpi sgt, %scan3A_89, %sign3A : i32
      %sign3A_91 = arith.extui %sign3A_90 : i1 to i32
      %sign3A_92 = arith.constant 0 : i32
      %sign3A_93 = arith.cmpi slt, %scan3A_89, %sign3A_92 : i32
      %sign3A_94 = arith.extui %sign3A_93 : i1 to i32
      %sign3A_95 = arith.subi %sign3A_91, %sign3A_94 : i32
      %sign3A_96 = arith.constant 0 : i32
      %sign3A_97 = arith.cmpi sgt, %jit3A, %sign3A_96 : i32
      %sign3A_98 = arith.extui %sign3A_97 : i1 to i32
      %sign3A_99 = arith.constant 0 : i32
      %sign3A_100 = arith.cmpi slt, %jit3A, %sign3A_99 : i32
      %sign3A_101 = arith.extui %sign3A_100 : i1 to i32
      %sign3A_102 = arith.subi %sign3A_98, %sign3A_101 : i32
      %ne3A = arith.cmpi ne, %sign3A_95, %sign3A_102 : i32
      %rem3A = arith.remsi %scan3A_89, %jit3A : i32
      %ne3A_103 = arith.constant 0 : i32
      %ne3A_104 = arith.cmpi ne, %rem3A, %ne3A_103 : i32
      %and3A = arith.andi %ne3A, %ne3A_104 : i1
      %sub3A = arith.constant 1 : i32
      %sub3A_105 = arith.subi %div3A, %sub3A : i32
      %select_n3A = arith.select %and3A, %sub3A_105, %div3A : i32
      %mul3A_106 = arith.constant 24 : i32
      %mul3A_107 = arith.muli %select_n3A, %mul3A_106 : i32
      %sub3A_108 = arith.subi %scan3A_89, %mul3A_107 : i32
      %mul3A_109 = arith.constant 384 : i32
      %mul3A_110 = arith.muli %select_n3A, %mul3A_109 : i32
      %mul3A_111 = arith.constant 16 : i32
      %mul3A_112 = arith.muli %sub3A_108, %mul3A_111 : i32
      %add3A_113 = arith.addi %mul3A_110, %mul3A_112 : i32
      %add3A_114 = vector.broadcast %add3A_113 : i32 to vector<16xi32>
      %add3A_115 = arith.addi %add3A_114, %iota3A : vector<16xi32>
      %gather3A = tpu.vector_load_idx %arg11[%add3A_115] : memref<768xi32, #tpu.memory_space<vmem>>[vector<16xi32>], vector<16xi32>,
      %mul3A_116 = arith.constant 512 : i32
      %mul3A_117 = arith.muli %select_n3A, %mul3A_116 : i32
      %add3A_118 = arith.constant 256 : i32
      %add3A_119 = vector.broadcast %add3A_118 : i32 to vector<16xi32>
      %add3A_120 = arith.addi %broadcast_in_dim3A_3, %add3A_119 : vector<16xi32>
      %add3A_121 = vector.broadcast %mul3A_117 : i32 to vector<16xi32>
      %add3A_122 = arith.addi %add3A_121, %add3A_120 : vector<16xi32>
      %sub3A_123 = arith.constant 1 : i32
      %sub3A_124 = vector.broadcast %sub3A_123 : i32 to vector<16xi32>
      %sub3A_125 = arith.subi %add3A_122, %sub3A_124 : vector<16xi32>
      %gather3A_126 = tpu.vector_load_idx %arg10[%sub3A_125] : memref<1024xi32, #tpu.memory_space<vmem>>[vector<16xi32>], vector<16xi32>,
      %lt3A = arith.cmpi slt, %gather3A_126, %gather3A : vector<16xi32>
      %select_n3A_127 = arith.select %lt3A, %add3A_120, %broadcast_in_dim3A_3 : vector<16xi1>, vector<16xi32>
      %add3A_128 = arith.constant 128 : i32
      %add3A_129 = vector.broadcast %add3A_128 : i32 to vector<16xi32>
      %add3A_130 = arith.addi %select_n3A_127, %add3A_129 : vector<16xi32>
      %add3A_131 = vector.broadcast %mul3A_117 : i32 to vector<16xi32>
      %add3A_132 = arith.addi %add3A_131, %add3A_130 : vector<16xi32>
      %sub3A_133 = arith.constant 1 : i32
      %sub3A_134 = vector.broadcast %sub3A_133 : i32 to vector<16xi32>
      %sub3A_135 = arith.subi %add3A_132, %sub3A_134 : vector<16xi32>
      %gather3A_136 = tpu.vector_load_idx %arg10[%sub3A_135] : memref<1024xi32, #tpu.memory_space<vmem>>[vector<16xi32>], vector<16xi32>,
      %lt3A_137 = arith.cmpi slt, %gather3A_136, %gather3A : vector<16xi32>
      %select_n3A_138 = arith.select %lt3A_137, %add3A_130, %select_n3A_127 : vector<16xi1>, vector<16xi32>
      %add3A_139 = arith.constant 64 : i32
      %add3A_140 = vector.broadcast %add3A_139 : i32 to vector<16xi32>
      %add3A_141 = arith.addi %select_n3A_138, %add3A_140 : vector<16xi32>
      %add3A_142 = vector.broadcast %mul3A_117 : i32 to vector<16xi32>
      %add3A_143 = arith.addi %add3A_142, %add3A_141 : vector<16xi32>
      %sub3A_144 = arith.constant 1 : i32
      %sub3A_145 = vector.broadcast %sub3A_144 : i32 to vector<16xi32>
      %sub3A_146 = arith.subi %add3A_143, %sub3A_145 : vector<16xi32>
      %gather3A_147 = tpu.vector_load_idx %arg10[%sub3A_146] : memref<1024xi32, #tpu.memory_space<vmem>>[vector<16xi32>], vector<16xi32>,
      %lt3A_148 = arith.cmpi slt, %gather3A_147, %gather3A : vector<16xi32>
      %select_n3A_149 = arith.select %lt3A_148, %add3A_141, %select_n3A_138 : vector<16xi1>, vector<16xi32>
      %add3A_150 = arith.constant 32 : i32
      %add3A_151 = vector.broadcast %add3A_150 : i32 to vector<16xi32>
      %add3A_152 = arith.addi %select_n3A_149, %add3A_151 : vector<16xi32>
      %add3A_153 = vector.broadcast %mul3A_117 : i32 to vector<16xi32>
      %add3A_154 = arith.addi %add3A_153, %add3A_152 : vector<16xi32>
      %sub3A_155 = arith.constant 1 : i32
      %sub3A_156 = vector.broadcast %sub3A_155 : i32 to vector<16xi32>
      %sub3A_157 = arith.subi %add3A_154, %sub3A_156 : vector<16xi32>
      %gather3A_158 = tpu.vector_load_idx %arg10[%sub3A_157] : memref<1024xi32, #tpu.memory_space<vmem>>[vector<16xi32>], vector<16xi32>,
      %lt3A_159 = arith.cmpi slt, %gather3A_158, %gather3A : vector<16xi32>
      %select_n3A_160 = arith.select %lt3A_159, %add3A_152, %select_n3A_149 : vector<16xi1>, vector<16xi32>
      %add3A_161 = arith.constant 16 : i32
      %add3A_162 = vector.broadcast %add3A_161 : i32 to vector<16xi32>
      %add3A_163 = arith.addi %select_n3A_160, %add3A_162 : vector<16xi32>
      %add3A_164 = vector.broadcast %mul3A_117 : i32 to vector<16xi32>
      %add3A_165 = arith.addi %add3A_164, %add3A_163 : vector<16xi32>
      %sub3A_166 = arith.constant 1 : i32
      %sub3A_167 = vector.broadcast %sub3A_166 : i32 to vector<16xi32>
      %sub3A_168 = arith.subi %add3A_165, %sub3A_167 : vector<16xi32>
      %gather3A_169 = tpu.vector_load_idx %arg10[%sub3A_168] : memref<1024xi32, #tpu.memory_space<vmem>>[vector<16xi32>], vector<16xi32>,
      %lt3A_170 = arith.cmpi slt, %gather3A_169, %gather3A : vector<16xi32>
      %select_n3A_171 = arith.select %lt3A_170, %add3A_163, %select_n3A_160 : vector<16xi1>, vector<16xi32>
      %add3A_172 = arith.constant 8 : i32
      %add3A_173 = vector.broadcast %add3A_172 : i32 to vector<16xi32>
      %add3A_174 = arith.addi %select_n3A_171, %add3A_173 : vector<16xi32>
      %add3A_175 = vector.broadcast %mul3A_117 : i32 to vector<16xi32>
      %add3A_176 = arith.addi %add3A_175, %add3A_174 : vector<16xi32>
      %sub3A_177 = arith.constant 1 : i32
      %sub3A_178 = vector.broadcast %sub3A_177 : i32 to vector<16xi32>
      %sub3A_179 = arith.subi %add3A_176, %sub3A_178 : vector<16xi32>
      %gather3A_180 = tpu.vector_load_idx %arg10[%sub3A_179] : memref<1024xi32, #tpu.memory_space<vmem>>[vector<16xi32>], vector<16xi32>,
      %lt3A_181 = arith.cmpi slt, %gather3A_180, %gather3A : vector<16xi32>
      %select_n3A_182 = arith.select %lt3A_181, %add3A_174, %select_n3A_171 : vector<16xi1>, vector<16xi32>
      %add3A_183 = arith.constant 4 : i32
      %add3A_184 = vector.broadcast %add3A_183 : i32 to vector<16xi32>
      %add3A_185 = arith.addi %select_n3A_182, %add3A_184 : vector<16xi32>
      %add3A_186 = vector.broadcast %mul3A_117 : i32 to vector<16xi32>
      %add3A_187 = arith.addi %add3A_186, %add3A_185 : vector<16xi32>
      %sub3A_188 = arith.constant 1 : i32
      %sub3A_189 = vector.broadcast %sub3A_188 : i32 to vector<16xi32>
      %sub3A_190 = arith.subi %add3A_187, %sub3A_189 : vector<16xi32>
      %gather3A_191 = tpu.vector_load_idx %arg10[%sub3A_190] : memref<1024xi32, #tpu.memory_space<vmem>>[vector<16xi32>], vector<16xi32>,
      %lt3A_192 = arith.cmpi slt, %gather3A_191, %gather3A : vector<16xi32>
      %select_n3A_193 = arith.select %lt3A_192, %add3A_185, %select_n3A_182 : vector<16xi1>, vector<16xi32>
      %add3A_194 = arith.constant 2 : i32
      %add3A_195 = vector.broadcast %add3A_194 : i32 to vector<16xi32>
      %add3A_196 = arith.addi %select_n3A_193, %add3A_195 : vector<16xi32>
      %add3A_197 = vector.broadcast %mul3A_117 : i32 to vector<16xi32>
      %add3A_198 = arith.addi %add3A_197, %add3A_196 : vector<16xi32>
      %sub3A_199 = arith.constant 1 : i32
      %sub3A_200 = vector.broadcast %sub3A_199 : i32 to vector<16xi32>
      %sub3A_201 = arith.subi %add3A_198, %sub3A_200 : vector<16xi32>
      %gather3A_202 = tpu.vector_load_idx %arg10[%sub3A_201] : memref<1024xi32, #tpu.memory_space<vmem>>[vector<16xi32>], vector<16xi32>,
      %lt3A_203 = arith.cmpi slt, %gather3A_202, %gather3A : vector<16xi32>
      %select_n3A_204 = arith.select %lt3A_203, %add3A_196, %select_n3A_193 : vector<16xi1>, vector<16xi32>
      %add3A_205 = arith.constant 1 : i32
      %add3A_206 = vector.broadcast %add3A_205 : i32 to vector<16xi32>
      %add3A_207 = arith.addi %select_n3A_204, %add3A_206 : vector<16xi32>
      %add3A_208 = vector.broadcast %mul3A_117 : i32 to vector<16xi32>
      %add3A_209 = arith.addi %add3A_208, %add3A_207 : vector<16xi32>
      %sub3A_210 = arith.constant 1 : i32
      %sub3A_211 = vector.broadcast %sub3A_210 : i32 to vector<16xi32>
      %sub3A_212 = arith.subi %add3A_209, %sub3A_211 : vector<16xi32>
      %gather3A_213 = tpu.vector_load_idx %arg10[%sub3A_212] : memref<1024xi32, #tpu.memory_space<vmem>>[vector<16xi32>], vector<16xi32>,
      %lt3A_214 = arith.cmpi slt, %gather3A_213, %gather3A : vector<16xi32>
      %select_n3A_215 = arith.select %lt3A_214, %add3A_207, %select_n3A_204 : vector<16xi1>, vector<16xi32>
      tpu.vector_store_idx %arg12[%add3A_115], %select_n3A_215 : memref<768xi32, #tpu.memory_space<vmem>>[vector<16xi32>], vector<16xi32>,
    }
    %scan3A_50 = arith.constant 48 : i32
    %dma_start3A_51 = arith.constant 0 : i32
    %dma_start3A_52 = arith.constant 0 : i32
    %dma_start3A_53 = tpu.memref_slice %arg16[%dma_start3A_51, %dma_start3A_52] : memref<16x361xi32, #tpu.memory_space<vmem>> -> memref<8x361xi32, #tpu.memory_space<vmem>>
    %dma_start3A_54 = arith.constant 0 : i32
    %dma_start3A_55 = tpu.memref_slice %arg2[%mul3A_2, %dma_start3A_54] : memref<4096x361xi32, #tpu.memory_space<hbm>> -> memref<8x361xi32, #tpu.memory_space<hbm>>
    %dma_start3A_56 = arith.constant 0 : i32
    %dma_start3A_57 = arith.constant 0 : i32
    %dma_start3A_58 = tpu.memref_slice %arg16[%dma_start3A_56, %dma_start3A_57] : memref<16x361xi32, #tpu.memory_space<vmem>> -> memref<8x361xi32, #tpu.memory_space<vmem>>
    %dma_start3A_59 = arith.constant 0 : i32
    %dma_start3A_60 = tpu.memref_slice %arg2[%mul3A_2, %dma_start3A_59] : memref<4096x361xi32, #tpu.memory_space<hbm>> -> memref<8x361xi32, #tpu.memory_space<hbm>>
    tpu.enqueue_dma source(%dma_start3A_60 : memref<8x361xi32, #tpu.memory_space<hbm>>) target(%dma_start3A_58 : memref<8x361xi32, #tpu.memory_space<vmem>>) target_semaphore(%arg21 : memref<!tpu.dma_semaphore, #tpu.memory_space<semaphore_mem>>)
    %dma_start3A_61 = arith.constant 0 : i32
    %dma_start3A_62 = arith.constant 0 : i32
    %dma_start3A_63 = tpu.memref_slice %arg17[%dma_start3A_61, %dma_start3A_62] : memref<16x361xf32, #tpu.memory_space<vmem>> -> memref<8x361xf32, #tpu.memory_space<vmem>>
    %dma_start3A_64 = arith.constant 0 : i32
    %dma_start3A_65 = tpu.memref_slice %arg6[%mul3A_2, %dma_start3A_64] : memref<4096x361xf32, #tpu.memory_space<hbm>> -> memref<8x361xf32, #tpu.memory_space<hbm>>
    %dma_start3A_66 = arith.constant 0 : i32
    %dma_start3A_67 = arith.constant 0 : i32
    %dma_start3A_68 = tpu.memref_slice %arg17[%dma_start3A_66, %dma_start3A_67] : memref<16x361xf32, #tpu.memory_space<vmem>> -> memref<8x361xf32, #tpu.memory_space<vmem>>
    %dma_start3A_69 = arith.constant 0 : i32
    %dma_start3A_70 = tpu.memref_slice %arg6[%mul3A_2, %dma_start3A_69] : memref<4096x361xf32, #tpu.memory_space<hbm>> -> memref<8x361xf32, #tpu.memory_space<hbm>>
    tpu.enqueue_dma source(%dma_start3A_70 : memref<8x361xf32, #tpu.memory_space<hbm>>) target(%dma_start3A_68 : memref<8x361xf32, #tpu.memory_space<vmem>>) target_semaphore(%arg22 : memref<!tpu.dma_semaphore, #tpu.memory_space<semaphore_mem>>)
    %scan3A_71 = arith.constant 0 : i32
    %scan3A_72 = arith.constant 0 : i32
    %scan3A_73 = arith.constant 16 : i32
    %scan3A_74 = arith.addi %scan3A_72, %scan3A_73 : i32
    %scan3A_75 = arith.constant 1 : i32
    scf.for %scan3A_89 = %scan3A_72 to %scan3A_74 step %scan3A_75  : i32 {
      %mul3A_90 = arith.constant 8 : i32
      %mul3A_91 = arith.muli %scan3A_89, %mul3A_90 : i32
      %add3A_92 = arith.addi %mul3A_2, %mul3A_91 : i32
      %and3A = arith.constant 1 : i32
      %and3A_93 = arith.andi %scan3A_89, %and3A : i32
      %mul3A_94 = arith.constant 8 : i32
      %mul3A_95 = arith.muli %and3A_93, %mul3A_94 : i32
      %dma_wait3A_96 = arith.constant 0 : i32
      %dma_wait3A_97 = tpu.memref_slice %arg16[%mul3A_95, %dma_wait3A_96] : memref<16x361xi32, #tpu.memory_space<vmem>> -> memref<8x361xi32, #tpu.memory_space<vmem>>
      %dma_wait3A_98 = arith.constant 0 : i32
      %dma_wait3A_99 = tpu.memref_slice %arg2[%add3A_92, %dma_wait3A_98] : memref<4096x361xi32, #tpu.memory_space<hbm>> -> memref<8x361xi32, #tpu.memory_space<hbm>>
      %dma_wait3A_100 = arith.constant 0 : i32
      %dma_wait3A_101 = tpu.memref_slice %arg16[%mul3A_95, %dma_wait3A_100] : memref<16x361xi32, #tpu.memory_space<vmem>> -> memref<8x361xi32, #tpu.memory_space<vmem>>
      %dma_wait3A_102 = arith.constant 0 : i32
      %dma_wait3A_103 = tpu.memref_slice %arg2[%add3A_92, %dma_wait3A_102] : memref<4096x361xi32, #tpu.memory_space<hbm>> -> memref<8x361xi32, #tpu.memory_space<hbm>>
      tpu.wait_dma2 semaphore(%arg21 : memref<!tpu.dma_semaphore, #tpu.memory_space<semaphore_mem>>) src(%dma_wait3A_103 : memref<8x361xi32, #tpu.memory_space<hbm>>) dst(%dma_wait3A_101 : memref<8x361xi32, #tpu.memory_space<vmem>>)
      %dma_wait3A_104 = arith.constant 0 : i32
      %dma_wait3A_105 = tpu.memref_slice %arg17[%mul3A_95, %dma_wait3A_104] : memref<16x361xf32, #tpu.memory_space<vmem>> -> memref<8x361xf32, #tpu.memory_space<vmem>>
      %dma_wait3A_106 = arith.constant 0 : i32
      %dma_wait3A_107 = tpu.memref_slice %arg6[%add3A_92, %dma_wait3A_106] : memref<4096x361xf32, #tpu.memory_space<hbm>> -> memref<8x361xf32, #tpu.memory_space<hbm>>
      %dma_wait3A_108 = arith.constant 0 : i32
      %dma_wait3A_109 = tpu.memref_slice %arg17[%mul3A_95, %dma_wait3A_108] : memref<16x361xf32, #tpu.memory_space<vmem>> -> memref<8x361xf32, #tpu.memory_space<vmem>>
      %dma_wait3A_110 = arith.constant 0 : i32
      %dma_wait3A_111 = tpu.memref_slice %arg6[%add3A_92, %dma_wait3A_110] : memref<4096x361xf32, #tpu.memory_space<hbm>> -> memref<8x361xf32, #tpu.memory_space<hbm>>
      tpu.wait_dma2 semaphore(%arg22 : memref<!tpu.dma_semaphore, #tpu.memory_space<semaphore_mem>>) src(%dma_wait3A_111 : memref<8x361xf32, #tpu.memory_space<hbm>>) dst(%dma_wait3A_109 : memref<8x361xf32, #tpu.memory_space<vmem>>)
      %add3A_112 = arith.constant 1 : i32
      %add3A_113 = arith.addi %scan3A_89, %add3A_112 : i32
      %lt3A = arith.constant 16 : i32
      %lt3A_114 = arith.cmpi slt, %add3A_113, %lt3A : i32
      %convert_element_type3A = arith.extui %lt3A_114 : i1 to i32
      %cond3A = arith.constant 0 : i32
      %cond3A_115 = arith.cmpi ne, %convert_element_type3A, %cond3A : i32
      scf.if %cond3A_115 {
        %add3A_134 = arith.constant 1 : i32
        %add3A_135 = arith.addi %scan3A_89, %add3A_134 : i32
        %and3A_136 = arith.constant 1 : i32
        %and3A_137 = arith.andi %add3A_135, %and3A_136 : i32
        %mul3A_138 = arith.constant 8 : i32
        %mul3A_139 = arith.muli %and3A_137, %mul3A_138 : i32
        %add3A_140 = arith.constant 1 : i32
        %add3A_141 = arith.addi %scan3A_89, %add3A_140 : i32
        %mul3A_142 = arith.constant 8 : i32
        %mul3A_143 = arith.muli %add3A_141, %mul3A_142 : i32
        %add3A_144 = arith.addi %mul3A_2, %mul3A_143 : i32
        %dma_start3A_145 = arith.constant 0 : i32
        %dma_start3A_146 = tpu.memref_slice %arg16[%mul3A_139, %dma_start3A_145] : memref<16x361xi32, #tpu.memory_space<vmem>> -> memref<8x361xi32, #tpu.memory_space<vmem>>
        %dma_start3A_147 = arith.constant 0 : i32
        %dma_start3A_148 = tpu.memref_slice %arg2[%add3A_144, %dma_start3A_147] : memref<4096x361xi32, #tpu.memory_space<hbm>> -> memref<8x361xi32, #tpu.memory_space<hbm>>
        %dma_start3A_149 = arith.constant 0 : i32
        %dma_start3A_150 = tpu.memref_slice %arg16[%mul3A_139, %dma_start3A_149] : memref<16x361xi32, #tpu.memory_space<vmem>> -> memref<8x361xi32, #tpu.memory_space<vmem>>
        %dma_start3A_151 = arith.constant 0 : i32
        %dma_start3A_152 = tpu.memref_slice %arg2[%add3A_144, %dma_start3A_151] : memref<4096x361xi32, #tpu.memory_space<hbm>> -> memref<8x361xi32, #tpu.memory_space<hbm>>
        tpu.enqueue_dma source(%dma_start3A_152 : memref<8x361xi32, #tpu.memory_space<hbm>>) target(%dma_start3A_150 : memref<8x361xi32, #tpu.memory_space<vmem>>) target_semaphore(%arg21 : memref<!tpu.dma_semaphore, #tpu.memory_space<semaphore_mem>>)
        %dma_start3A_153 = arith.constant 0 : i32
        %dma_start3A_154 = tpu.memref_slice %arg17[%mul3A_139, %dma_start3A_153] : memref<16x361xf32, #tpu.memory_space<vmem>> -> memref<8x361xf32, #tpu.memory_space<vmem>>
        %dma_start3A_155 = arith.constant 0 : i32
        %dma_start3A_156 = tpu.memref_slice %arg6[%add3A_144, %dma_start3A_155] : memref<4096x361xf32, #tpu.memory_space<hbm>> -> memref<8x361xf32, #tpu.memory_space<hbm>>
        %dma_start3A_157 = arith.constant 0 : i32
        %dma_start3A_158 = tpu.memref_slice %arg17[%mul3A_139, %dma_start3A_157] : memref<16x361xf32, #tpu.memory_space<vmem>> -> memref<8x361xf32, #tpu.memory_space<vmem>>
        %dma_start3A_159 = arith.constant 0 : i32
        %dma_start3A_160 = tpu.memref_slice %arg6[%add3A_144, %dma_start3A_159] : memref<4096x361xf32, #tpu.memory_space<hbm>> -> memref<8x361xf32, #tpu.memory_space<hbm>>
        tpu.enqueue_dma source(%dma_start3A_160 : memref<8x361xf32, #tpu.memory_space<hbm>>) target(%dma_start3A_158 : memref<8x361xf32, #tpu.memory_space<vmem>>) target_semaphore(%arg22 : memref<!tpu.dma_semaphore, #tpu.memory_space<semaphore_mem>>)
      } else {
      }
      %scan3A_116 = arith.constant 0 : i32
      %scan3A_117 = arith.constant 0 : i32
      %scan3A_118 = arith.constant 4 : i32
      %scan3A_119 = arith.addi %scan3A_117, %scan3A_118 : i32
      %scan3A_120 = arith.constant 1 : i32
      scf.for %scan3A_134 = %scan3A_117 to %scan3A_119 step %scan3A_120  : i32 {
        %mul3A_135 = arith.constant 2 : i32
        %mul3A_136 = arith.muli %scan3A_134, %mul3A_135 : i32
        %add3A_137 = arith.constant 0 : i32
        %add3A_138 = arith.addi %mul3A_136, %add3A_137 : i32
        %mul3A_139 = arith.constant 2 : i32
        %mul3A_140 = arith.muli %scan3A_134, %mul3A_139 : i32
        %add3A_141 = arith.constant 1 : i32
        %add3A_142 = arith.addi %mul3A_140, %add3A_141 : i32
        %add3A_143 = arith.addi %mul3A_95, %add3A_138 : i32
        %broadcast_in_dim3A_144 = vector.broadcast %add3A_143 : i32 to vector<16xi32>
        %add3A_145 = arith.addi %mul3A_95, %add3A_142 : i32
        %broadcast_in_dim3A_146 = vector.broadcast %add3A_145 : i32 to vector<16xi32>
        %mul3A_147 = arith.constant 8 : i32
        %mul3A_148 = arith.muli %scan3A_89, %mul3A_147 : i32
        %add3A_149 = arith.addi %mul3A_148, %add3A_138 : i32
        %broadcast_in_dim3A_150 = vector.broadcast %add3A_149 : i32 to vector<16xi32>
        %mul3A_151 = arith.constant 8 : i32
        %mul3A_152 = arith.muli %scan3A_89, %mul3A_151 : i32
        %add3A_153 = arith.addi %mul3A_152, %add3A_142 : i32
        %broadcast_in_dim3A_154 = vector.broadcast %add3A_153 : i32 to vector<16xi32>
        %gather3A = tpu.vector_load_idx %arg13[%broadcast_in_dim3A_150] : memref<128xi32, #tpu.memory_space<vmem>>[vector<16xi32>], vector<16xi32>,
        %gather3A_155 = tpu.vector_load_idx %arg13[%broadcast_in_dim3A_154] : memref<128xi32, #tpu.memory_space<vmem>>[vector<16xi32>], vector<16xi32>,
        %gather3A_156 = tpu.vector_load_idx %arg14[%broadcast_in_dim3A_150] : memref<128xi32, #tpu.memory_space<vmem>>[vector<16xi32>], vector<16xi32>,
        %gather3A_157 = tpu.vector_load_idx %arg14[%broadcast_in_dim3A_154] : memref<128xi32, #tpu.memory_space<vmem>>[vector<16xi32>], vector<16xi32>,
        %gather3A_158 = tpu.vector_load_idx %arg15[%broadcast_in_dim3A_150] : memref<128xi32, #tpu.memory_space<vmem>>[vector<16xi32>], vector<16xi32>,
        %gather3A_159 = tpu.vector_load_idx %arg15[%broadcast_in_dim3A_154] : memref<128xi32, #tpu.memory_space<vmem>>[vector<16xi32>], vector<16xi32>,
        %mul3A_160 = arith.constant 512 : i32
        %mul3A_161 = vector.broadcast %mul3A_160 : i32 to vector<16xi32>
        %mul3A_162 = arith.muli %gather3A_158, %mul3A_161 : vector<16xi32>
        %mul3A_163 = arith.constant 512 : i32
        %mul3A_164 = vector.broadcast %mul3A_163 : i32 to vector<16xi32>
        %mul3A_165 = arith.muli %gather3A_159, %mul3A_164 : vector<16xi32>
        %mul3A_166 = arith.constant 2048 : i32
        %mul3A_167 = vector.broadcast %mul3A_166 : i32 to vector<16xi32>
        %mul3A_168 = arith.muli %gather3A_158, %mul3A_167 : vector<16xi32>
        %mul3A_169 = arith.constant 2048 : i32
        %mul3A_170 = vector.broadcast %mul3A_169 : i32 to vector<16xi32>
        %mul3A_171 = arith.muli %gather3A_159, %mul3A_170 : vector<16xi32>
        %mul3A_172 = arith.constant 512 : i32
        %mul3A_173 = arith.muli %add3A_138, %mul3A_172 : i32
        %broadcast_in_dim3A_174 = vector.broadcast %mul3A_173 : i32 to vector<16xi32>
        %mul3A_175 = arith.constant 512 : i32
        %mul3A_176 = arith.muli %add3A_142, %mul3A_175 : i32
        %broadcast_in_dim3A_177 = vector.broadcast %mul3A_176 : i32 to vector<16xi32>
        %reduce_max3A = arith.constant true
        %reduce_max3A_178 = vector.broadcast %reduce_max3A : i1 to vector<16xi1>
        %reduce_max3A_179 = arith.constant -2147483648 : i32
        %reduce_max3A_180 = vector.broadcast %reduce_max3A_179 : i32 to vector<16xi32>
        %reduce_max3A_181 = arith.xori %gather3A, %reduce_max3A_180 : vector<16xi32>
        %reduce_max3A_182 = tpu.scan <max>, %reduce_max3A_181 masked %reduce_max3A_178 : vector<16xi32>, vector<16xi1> -> vector<16xi32>
        %reduce_max3A_183 = arith.xori %reduce_max3A_182, %reduce_max3A_180 : vector<16xi32>
        %reduce_max3A_184 = vector.extract %reduce_max3A_183[15] : i32 from vector<16xi32>
        %reduce_max3A_185 = arith.constant true
        %reduce_max3A_186 = vector.broadcast %reduce_max3A_185 : i1 to vector<16xi1>
        %reduce_max3A_187 = arith.constant -2147483648 : i32
        %reduce_max3A_188 = vector.broadcast %reduce_max3A_187 : i32 to vector<16xi32>
        %reduce_max3A_189 = arith.xori %gather3A_155, %reduce_max3A_188 : vector<16xi32>
        %reduce_max3A_190 = tpu.scan <max>, %reduce_max3A_189 masked %reduce_max3A_186 : vector<16xi32>, vector<16xi1> -> vector<16xi32>
        %reduce_max3A_191 = arith.xori %reduce_max3A_190, %reduce_max3A_188 : vector<16xi32>
        %reduce_max3A_192 = vector.extract %reduce_max3A_191[15] : i32 from vector<16xi32>
        %max3A = arith.maxsi %reduce_max3A_184, %reduce_max3A_192 : i32
        %add3A_193 = arith.constant 64 : i32
        %add3A_194 = arith.addi %max3A, %add3A_193 : i32
        %shift_right_arithmetic3A = arith.constant 6 : i32
        %shift_right_arithmetic3A_195 = arith.shrsi %add3A_194, %shift_right_arithmetic3A : i32
        %while3A = arith.constant 0 : i32
        %while3A_196 = arith.constant 0 : i32
        %while3A_197 = arith.subi %shift_right_arithmetic3A_195, %while3A_196 : i32
        %while3A_198 = arith.addi %while3A_196, %while3A_197 : i32
        %while3A_199 = arith.constant 1 : i32
        %while3A_200 = arith.divsi %while3A_197, %while3A_199 : i32
        %while3A_201 = arith.muli %while3A_200, %while3A_199 : i32
        %while3A_202 = arith.addi %while3A_196, %while3A_201 : i32
        %while3A_203 = arith.constant 1 : i32
        scf.for %while3A_217 = %while3A_196 to %while3A_202 step %while3A_203  : i32 {
          %mul3A_218 = arith.constant 64 : i32
          %mul3A_219 = arith.muli %while3A_217, %mul3A_218 : i32
          %add3A_220 = arith.constant 0 : i32
          %add3A_221 = arith.addi %mul3A_219, %add3A_220 : i32
          %add3A_222 = vector.broadcast %add3A_221 : i32 to vector<16xi32>
          %add3A_223 = arith.addi %add3A_222, %iota3A : vector<16xi32>
          %mul3A_224 = arith.constant 64 : i32
          %mul3A_225 = arith.muli %while3A_217, %mul3A_224 : i32
          %add3A_226 = arith.constant 16 : i32
          %add3A_227 = arith.addi %mul3A_225, %add3A_226 : i32
          %add3A_228 = vector.broadcast %add3A_227 : i32 to vector<16xi32>
          %add3A_229 = arith.addi %add3A_228, %iota3A : vector<16xi32>
          %mul3A_230 = arith.constant 64 : i32
          %mul3A_231 = arith.muli %while3A_217, %mul3A_230 : i32
          %add3A_232 = arith.constant 32 : i32
          %add3A_233 = arith.addi %mul3A_231, %add3A_232 : i32
          %add3A_234 = vector.broadcast %add3A_233 : i32 to vector<16xi32>
          %add3A_235 = arith.addi %add3A_234, %iota3A : vector<16xi32>
          %mul3A_236 = arith.constant 64 : i32
          %mul3A_237 = arith.muli %while3A_217, %mul3A_236 : i32
          %add3A_238 = arith.constant 48 : i32
          %add3A_239 = arith.addi %mul3A_237, %add3A_238 : i32
          %add3A_240 = vector.broadcast %add3A_239 : i32 to vector<16xi32>
          %add3A_241 = arith.addi %add3A_240, %iota3A : vector<16xi32>
          %min3A = arith.constant 360 : i32
          %min3A_242 = vector.broadcast %min3A : i32 to vector<16xi32>
          %min3A_243 = arith.minsi %add3A_223, %min3A_242 : vector<16xi32>
          %gather3A_244 = tpu.vector_load_idx %arg16[%broadcast_in_dim3A_144, %min3A_243] : memref<16x361xi32, #tpu.memory_space<vmem>>[vector<16xi32>, vector<16xi32>], vector<16xi32>,
          %min3A_245 = arith.constant 360 : i32
          %min3A_246 = vector.broadcast %min3A_245 : i32 to vector<16xi32>
          %min3A_247 = arith.minsi %add3A_229, %min3A_246 : vector<16xi32>
          %gather3A_248 = tpu.vector_load_idx %arg16[%broadcast_in_dim3A_144, %min3A_247] : memref<16x361xi32, #tpu.memory_space<vmem>>[vector<16xi32>, vector<16xi32>], vector<16xi32>,
          %min3A_249 = arith.constant 360 : i32
          %min3A_250 = vector.broadcast %min3A_249 : i32 to vector<16xi32>
          %min3A_251 = arith.minsi %add3A_235, %min3A_250 : vector<16xi32>
          %gather3A_252 = tpu.vector_load_idx %arg16[%broadcast_in_dim3A_144, %min3A_251] : memref<16x361xi32, #tpu.memory_space<vmem>>[vector<16xi32>, vector<16xi32>], vector<16xi32>,
          %min3A_253 = arith.constant 360 : i32
          %min3A_254 = vector.broadcast %min3A_253 : i32 to vector<16xi32>
          %min3A_255 = arith.minsi %add3A_241, %min3A_254 : vector<16xi32>
          %gather3A_256 = tpu.vector_load_idx %arg16[%broadcast_in_dim3A_144, %min3A_255] : memref<16x361xi32, #tpu.memory_space<vmem>>[vector<16xi32>, vector<16xi32>], vector<16xi32>,
          %lt3A_257 = arith.cmpi slt, %add3A_223, %gather3A : vector<16xi32>
          %jit3A = arith.constant 2147483647 : i32
          %broadcast_in_dim3A_258 = vector.broadcast %jit3A : i32 to vector<16xi32>
          %select_n3A = arith.select %lt3A_257, %gather3A_244, %broadcast_in_dim3A_258 : vector<16xi1>, vector<16xi32>
          %xor3A = arith.xori %select_n3A, %gather3A_156 : vector<16xi32>
          %lt3A_259 = arith.cmpi slt, %add3A_229, %gather3A : vector<16xi32>
          %jit3A_260 = arith.constant 2147483647 : i32
          %broadcast_in_dim3A_261 = vector.broadcast %jit3A_260 : i32 to vector<16xi32>
          %select_n3A_262 = arith.select %lt3A_259, %gather3A_248, %broadcast_in_dim3A_261 : vector<16xi1>, vector<16xi32>
          %xor3A_263 = arith.xori %select_n3A_262, %gather3A_156 : vector<16xi32>
          %lt3A_264 = arith.cmpi slt, %add3A_235, %gather3A : vector<16xi32>
          %jit3A_265 = arith.constant 2147483647 : i32
          %broadcast_in_dim3A_266 = vector.broadcast %jit3A_265 : i32 to vector<16xi32>
          %select_n3A_267 = arith.select %lt3A_264, %gather3A_252, %broadcast_in_dim3A_266 : vector<16xi1>, vector<16xi32>
          %xor3A_268 = arith.xori %select_n3A_267, %gather3A_156 : vector<16xi32>
          %lt3A_269 = arith.cmpi slt, %add3A_241, %gather3A : vector<16xi32>
          %jit3A_270 = arith.constant 2147483647 : i32
          %broadcast_in_dim3A_271 = vector.broadcast %jit3A_270 : i32 to vector<16xi32>
          %select_n3A_272 = arith.select %lt3A_269, %gather3A_256, %broadcast_in_dim3A_271 : vector<16xi1>, vector<16xi32>
          %xor3A_273 = arith.xori %select_n3A_272, %gather3A_156 : vector<16xi32>
          %min3A_274 = arith.constant 360 : i32
          %min3A_275 = vector.broadcast %min3A_274 : i32 to vector<16xi32>
          %min3A_276 = arith.minsi %add3A_223, %min3A_275 : vector<16xi32>
          %gather3A_277 = tpu.vector_load_idx %arg16[%broadcast_in_dim3A_146, %min3A_276] : memref<16x361xi32, #tpu.memory_space<vmem>>[vector<16xi32>, vector<16xi32>], vector<16xi32>,
          %min3A_278 = arith.constant 360 : i32
          %min3A_279 = vector.broadcast %min3A_278 : i32 to vector<16xi32>
          %min3A_280 = arith.minsi %add3A_229, %min3A_279 : vector<16xi32>
          %gather3A_281 = tpu.vector_load_idx %arg16[%broadcast_in_dim3A_146, %min3A_280] : memref<16x361xi32, #tpu.memory_space<vmem>>[vector<16xi32>, vector<16xi32>], vector<16xi32>,
          %min3A_282 = arith.constant 360 : i32
          %min3A_283 = vector.broadcast %min3A_282 : i32 to vector<16xi32>
          %min3A_284 = arith.minsi %add3A_235, %min3A_283 : vector<16xi32>
          %gather3A_285 = tpu.vector_load_idx %arg16[%broadcast_in_dim3A_146, %min3A_284] : memref<16x361xi32, #tpu.memory_space<vmem>>[vector<16xi32>, vector<16xi32>], vector<16xi32>,
          %min3A_286 = arith.constant 360 : i32
          %min3A_287 = vector.broadcast %min3A_286 : i32 to vector<16xi32>
          %min3A_288 = arith.minsi %add3A_241, %min3A_287 : vector<16xi32>
          %gather3A_289 = tpu.vector_load_idx %arg16[%broadcast_in_dim3A_146, %min3A_288] : memref<16x361xi32, #tpu.memory_space<vmem>>[vector<16xi32>, vector<16xi32>], vector<16xi32>,
          %lt3A_290 = arith.cmpi slt, %add3A_223, %gather3A_155 : vector<16xi32>
          %jit3A_291 = arith.constant 2147483647 : i32
          %broadcast_in_dim3A_292 = vector.broadcast %jit3A_291 : i32 to vector<16xi32>
          %select_n3A_293 = arith.select %lt3A_290, %gather3A_277, %broadcast_in_dim3A_292 : vector<16xi1>, vector<16xi32>
          %xor3A_294 = arith.xori %select_n3A_293, %gather3A_157 : vector<16xi32>
          %lt3A_295 = arith.cmpi slt, %add3A_229, %gather3A_155 : vector<16xi32>
          %jit3A_296 = arith.constant 2147483647 : i32
          %broadcast_in_dim3A_297 = vector.broadcast %jit3A_296 : i32 to vector<16xi32>
          %select_n3A_298 = arith.select %lt3A_295, %gather3A_281, %broadcast_in_dim3A_297 : vector<16xi1>, vector<16xi32>
          %xor3A_299 = arith.xori %select_n3A_298, %gather3A_157 : vector<16xi32>
          %lt3A_300 = arith.cmpi slt, %add3A_235, %gather3A_155 : vector<16xi32>
          %jit3A_301 = arith.constant 2147483647 : i32
          %broadcast_in_dim3A_302 = vector.broadcast %jit3A_301 : i32 to vector<16xi32>
          %select_n3A_303 = arith.select %lt3A_300, %gather3A_285, %broadcast_in_dim3A_302 : vector<16xi1>, vector<16xi32>
          %xor3A_304 = arith.xori %select_n3A_303, %gather3A_157 : vector<16xi32>
          %lt3A_305 = arith.cmpi slt, %add3A_241, %gather3A_155 : vector<16xi32>
          %jit3A_306 = arith.constant 2147483647 : i32
          %broadcast_in_dim3A_307 = vector.broadcast %jit3A_306 : i32 to vector<16xi32>
          %select_n3A_308 = arith.select %lt3A_305, %gather3A_289, %broadcast_in_dim3A_307 : vector<16xi1>, vector<16xi32>
          %xor3A_309 = arith.xori %select_n3A_308, %gather3A_157 : vector<16xi32>
          %max3A_310 = arith.constant 0 : i32
          %max3A_311 = vector.broadcast %max3A_310 : i32 to vector<16xi32>
          %max3A_312 = arith.maxsi %xor3A, %max3A_311 : vector<16xi32>
          %shift_right_arithmetic3A_313 = arith.constant 20 : i32
          %shift_right_arithmetic3A_314 = vector.broadcast %shift_right_arithmetic3A_313 : i32 to vector<16xi32>
          %shift_right_arithmetic3A_315 = arith.shrsi %max3A_312, %shift_right_arithmetic3A_314 : vector<16xi32>
          %max3A_316 = arith.constant 0 : i32
          %max3A_317 = vector.broadcast %max3A_316 : i32 to vector<16xi32>
          %max3A_318 = arith.maxsi %xor3A_263, %max3A_317 : vector<16xi32>
          %shift_right_arithmetic3A_319 = arith.constant 20 : i32
          %shift_right_arithmetic3A_320 = vector.broadcast %shift_right_arithmetic3A_319 : i32 to vector<16xi32>
          %shift_right_arithmetic3A_321 = arith.shrsi %max3A_318, %shift_right_arithmetic3A_320 : vector<16xi32>
          %max3A_322 = arith.constant 0 : i32
          %max3A_323 = vector.broadcast %max3A_322 : i32 to vector<16xi32>
          %max3A_324 = arith.maxsi %xor3A_268, %max3A_323 : vector<16xi32>
          %shift_right_arithmetic3A_325 = arith.constant 20 : i32
          %shift_right_arithmetic3A_326 = vector.broadcast %shift_right_arithmetic3A_325 : i32 to vector<16xi32>
          %shift_right_arithmetic3A_327 = arith.shrsi %max3A_324, %shift_right_arithmetic3A_326 : vector<16xi32>
          %max3A_328 = arith.constant 0 : i32
          %max3A_329 = vector.broadcast %max3A_328 : i32 to vector<16xi32>
          %max3A_330 = arith.maxsi %xor3A_273, %max3A_329 : vector<16xi32>
          %shift_right_arithmetic3A_331 = arith.constant 20 : i32
          %shift_right_arithmetic3A_332 = vector.broadcast %shift_right_arithmetic3A_331 : i32 to vector<16xi32>
          %shift_right_arithmetic3A_333 = arith.shrsi %max3A_330, %shift_right_arithmetic3A_332 : vector<16xi32>
          %max3A_334 = arith.constant 0 : i32
          %max3A_335 = vector.broadcast %max3A_334 : i32 to vector<16xi32>
          %max3A_336 = arith.maxsi %xor3A_294, %max3A_335 : vector<16xi32>
          %shift_right_arithmetic3A_337 = arith.constant 20 : i32
          %shift_right_arithmetic3A_338 = vector.broadcast %shift_right_arithmetic3A_337 : i32 to vector<16xi32>
          %shift_right_arithmetic3A_339 = arith.shrsi %max3A_336, %shift_right_arithmetic3A_338 : vector<16xi32>
          %max3A_340 = arith.constant 0 : i32
          %max3A_341 = vector.broadcast %max3A_340 : i32 to vector<16xi32>
          %max3A_342 = arith.maxsi %xor3A_299, %max3A_341 : vector<16xi32>
          %shift_right_arithmetic3A_343 = arith.constant 20 : i32
          %shift_right_arithmetic3A_344 = vector.broadcast %shift_right_arithmetic3A_343 : i32 to vector<16xi32>
          %shift_right_arithmetic3A_345 = arith.shrsi %max3A_342, %shift_right_arithmetic3A_344 : vector<16xi32>
          %max3A_346 = arith.constant 0 : i32
          %max3A_347 = vector.broadcast %max3A_346 : i32 to vector<16xi32>
          %max3A_348 = arith.maxsi %xor3A_304, %max3A_347 : vector<16xi32>
          %shift_right_arithmetic3A_349 = arith.constant 20 : i32
          %shift_right_arithmetic3A_350 = vector.broadcast %shift_right_arithmetic3A_349 : i32 to vector<16xi32>
          %shift_right_arithmetic3A_351 = arith.shrsi %max3A_348, %shift_right_arithmetic3A_350 : vector<16xi32>
          %max3A_352 = arith.constant 0 : i32
          %max3A_353 = vector.broadcast %max3A_352 : i32 to vector<16xi32>
          %max3A_354 = arith.maxsi %xor3A_309, %max3A_353 : vector<16xi32>
          %shift_right_arithmetic3A_355 = arith.constant 20 : i32
          %shift_right_arithmetic3A_356 = vector.broadcast %shift_right_arithmetic3A_355 : i32 to vector<16xi32>
          %shift_right_arithmetic3A_357 = arith.shrsi %max3A_354, %shift_right_arithmetic3A_356 : vector<16xi32>
          %add3A_358 = arith.addi %mul3A_168, %shift_right_arithmetic3A_315 : vector<16xi32>
          %gather3A_359 = tpu.vector_load_idx %arg20[%add3A_358] : memref<4096xi32, #tpu.memory_space<vmem>>[vector<16xi32>], vector<16xi32>,
          %add3A_360 = arith.addi %mul3A_168, %shift_right_arithmetic3A_321 : vector<16xi32>
          %gather3A_361 = tpu.vector_load_idx %arg20[%add3A_360] : memref<4096xi32, #tpu.memory_space<vmem>>[vector<16xi32>], vector<16xi32>,
          %add3A_362 = arith.addi %mul3A_168, %shift_right_arithmetic3A_327 : vector<16xi32>
          %gather3A_363 = tpu.vector_load_idx %arg20[%add3A_362] : memref<4096xi32, #tpu.memory_space<vmem>>[vector<16xi32>], vector<16xi32>,
          %add3A_364 = arith.addi %mul3A_168, %shift_right_arithmetic3A_333 : vector<16xi32>
          %gather3A_365 = tpu.vector_load_idx %arg20[%add3A_364] : memref<4096xi32, #tpu.memory_space<vmem>>[vector<16xi32>], vector<16xi32>,
          %add3A_366 = arith.addi %mul3A_171, %shift_right_arithmetic3A_339 : vector<16xi32>
          %gather3A_367 = tpu.vector_load_idx %arg20[%add3A_366] : memref<4096xi32, #tpu.memory_space<vmem>>[vector<16xi32>], vector<16xi32>,
          %add3A_368 = arith.addi %mul3A_171, %shift_right_arithmetic3A_345 : vector<16xi32>
          %gather3A_369 = tpu.vector_load_idx %arg20[%add3A_368] : memref<4096xi32, #tpu.memory_space<vmem>>[vector<16xi32>], vector<16xi32>,
          %add3A_370 = arith.addi %mul3A_171, %shift_right_arithmetic3A_351 : vector<16xi32>
          %gather3A_371 = tpu.vector_load_idx %arg20[%add3A_370] : memref<4096xi32, #tpu.memory_space<vmem>>[vector<16xi32>], vector<16xi32>,
          %add3A_372 = arith.addi %mul3A_171, %shift_right_arithmetic3A_357 : vector<16xi32>
          %gather3A_373 = tpu.vector_load_idx %arg20[%add3A_372] : memref<4096xi32, #tpu.memory_space<vmem>>[vector<16xi32>], vector<16xi32>,
          %add3A_374 = arith.addi %mul3A_162, %gather3A_359 : vector<16xi32>
          %gather3A_375 = tpu.vector_load_idx %arg10[%add3A_374] : memref<1024xi32, #tpu.memory_space<vmem>>[vector<16xi32>], vector<16xi32>,
          %add3A_376 = arith.addi %mul3A_162, %gather3A_361 : vector<16xi32>
          %gather3A_377 = tpu.vector_load_idx %arg10[%add3A_376] : memref<1024xi32, #tpu.memory_space<vmem>>[vector<16xi32>], vector<16xi32>,
          %add3A_378 = arith.addi %mul3A_162, %gather3A_363 : vector<16xi32>
          %gather3A_379 = tpu.vector_load_idx %arg10[%add3A_378] : memref<1024xi32, #tpu.memory_space<vmem>>[vector<16xi32>], vector<16xi32>,
          %add3A_380 = arith.addi %mul3A_162, %gather3A_365 : vector<16xi32>
          %gather3A_381 = tpu.vector_load_idx %arg10[%add3A_380] : memref<1024xi32, #tpu.memory_space<vmem>>[vector<16xi32>], vector<16xi32>,
          %add3A_382 = arith.addi %mul3A_165, %gather3A_367 : vector<16xi32>
          %gather3A_383 = tpu.vector_load_idx %arg10[%add3A_382] : memref<1024xi32, #tpu.memory_space<vmem>>[vector<16xi32>], vector<16xi32>,
          %add3A_384 = arith.addi %mul3A_165, %gather3A_369 : vector<16xi32>
          %gather3A_385 = tpu.vector_load_idx %arg10[%add3A_384] : memref<1024xi32, #tpu.memory_space<vmem>>[vector<16xi32>], vector<16xi32>,
          %add3A_386 = arith.addi %mul3A_165, %gather3A_371 : vector<16xi32>
          %gather3A_387 = tpu.vector_load_idx %arg10[%add3A_386] : memref<1024xi32, #tpu.memory_space<vmem>>[vector<16xi32>], vector<16xi32>,
          %add3A_388 = arith.addi %mul3A_165, %gather3A_373 : vector<16xi32>
          %gather3A_389 = tpu.vector_load_idx %arg10[%add3A_388] : memref<1024xi32, #tpu.memory_space<vmem>>[vector<16xi32>], vector<16xi32>,
          %lt3A_390 = arith.cmpi slt, %gather3A_375, %xor3A : vector<16xi32>
          %lt3A_391 = arith.cmpi slt, %gather3A_377, %xor3A_263 : vector<16xi32>
          %lt3A_392 = arith.cmpi slt, %gather3A_379, %xor3A_268 : vector<16xi32>
          %lt3A_393 = arith.cmpi slt, %gather3A_381, %xor3A_273 : vector<16xi32>
          %lt3A_394 = arith.cmpi slt, %gather3A_383, %xor3A_294 : vector<16xi32>
          %lt3A_395 = arith.cmpi slt, %gather3A_385, %xor3A_299 : vector<16xi32>
          %lt3A_396 = arith.cmpi slt, %gather3A_387, %xor3A_304 : vector<16xi32>
          %lt3A_397 = arith.cmpi slt, %gather3A_389, %xor3A_309 : vector<16xi32>
          %or3A = arith.ori %lt3A_390, %lt3A_391 : vector<16xi1>
          %or3A_398 = arith.ori %or3A, %lt3A_392 : vector<16xi1>
          %or3A_399 = arith.ori %or3A_398, %lt3A_393 : vector<16xi1>
          %or3A_400 = arith.ori %or3A_399, %lt3A_394 : vector<16xi1>
          %or3A_401 = arith.ori %or3A_400, %lt3A_395 : vector<16xi1>
          %or3A_402 = arith.ori %or3A_401, %lt3A_396 : vector<16xi1>
          %or3A_403 = arith.ori %or3A_402, %lt3A_397 : vector<16xi1>
          %convert_element_type3A_404 = arith.extui %lt3A_390 : vector<16xi1> to vector<16xi32>
          %add3A_405 = arith.addi %gather3A_359, %convert_element_type3A_404 : vector<16xi32>
          %convert_element_type3A_406 = arith.extui %lt3A_391 : vector<16xi1> to vector<16xi32>
          %add3A_407 = arith.addi %gather3A_361, %convert_element_type3A_406 : vector<16xi32>
          %convert_element_type3A_408 = arith.extui %lt3A_392 : vector<16xi1> to vector<16xi32>
          %add3A_409 = arith.addi %gather3A_363, %convert_element_type3A_408 : vector<16xi32>
          %convert_element_type3A_410 = arith.extui %lt3A_393 : vector<16xi1> to vector<16xi32>
          %add3A_411 = arith.addi %gather3A_365, %convert_element_type3A_410 : vector<16xi32>
          %convert_element_type3A_412 = arith.extui %lt3A_394 : vector<16xi1> to vector<16xi32>
          %add3A_413 = arith.addi %gather3A_367, %convert_element_type3A_412 : vector<16xi32>
          %convert_element_type3A_414 = arith.extui %lt3A_395 : vector<16xi1> to vector<16xi32>
          %add3A_415 = arith.addi %gather3A_369, %convert_element_type3A_414 : vector<16xi32>
          %convert_element_type3A_416 = arith.extui %lt3A_396 : vector<16xi1> to vector<16xi32>
          %add3A_417 = arith.addi %gather3A_371, %convert_element_type3A_416 : vector<16xi32>
          %convert_element_type3A_418 = arith.extui %lt3A_397 : vector<16xi1> to vector<16xi32>
          %add3A_419 = arith.addi %gather3A_373, %convert_element_type3A_418 : vector<16xi32>
          %reduce_or3A = arith.constant 1.000000e+00 : f32
          %reduce_or3A_420 = arith.constant 0.000000e+00 : f32
          %reduce_or3A_421 = vector.broadcast %reduce_or3A : f32 to vector<16xf32>
          %reduce_or3A_422 = vector.broadcast %reduce_or3A_420 : f32 to vector<16xf32>
          %reduce_or3A_423 = arith.select %or3A_403, %reduce_or3A_421, %reduce_or3A_422 : vector<16xi1>, vector<16xf32>
          %reduce_or3A_424 = arith.constant true
          %reduce_or3A_425 = vector.broadcast %reduce_or3A_424 : i1 to vector<16xi1>
          %reduce_or3A_426 = tpu.scan <max>, %reduce_or3A_423 masked %reduce_or3A_425 : vector<16xf32>, vector<16xi1> -> vector<16xf32>
          %reduce_or3A_427 = vector.extract %reduce_or3A_426[15] : f32 from vector<16xf32>
          %reduce_or3A_428 = arith.constant 0.000000e+00 : f32
          %reduce_or3A_429 = arith.cmpf ogt, %reduce_or3A_427, %reduce_or3A_428 : f32
          %add3A_430 = arith.addi %mul3A_162, %add3A_405 : vector<16xi32>
          %gather3A_431 = tpu.vector_load_idx %arg10[%add3A_430] : memref<1024xi32, #tpu.memory_space<vmem>>[vector<16xi32>], vector<16xi32>,
          %add3A_432 = arith.addi %mul3A_162, %add3A_407 : vector<16xi32>
          %gather3A_433 = tpu.vector_load_idx %arg10[%add3A_432] : memref<1024xi32, #tpu.memory_space<vmem>>[vector<16xi32>], vector<16xi32>,
          %add3A_434 = arith.addi %mul3A_162, %add3A_409 : vector<16xi32>
          %gather3A_435 = tpu.vector_load_idx %arg10[%add3A_434] : memref<1024xi32, #tpu.memory_space<vmem>>[vector<16xi32>], vector<16xi32>,
          %add3A_436 = arith.addi %mul3A_162, %add3A_411 : vector<16xi32>
          %gather3A_437 = tpu.vector_load_idx %arg10[%add3A_436] : memref<1024xi32, #tpu.memory_space<vmem>>[vector<16xi32>], vector<16xi32>,
          %add3A_438 = arith.addi %mul3A_165, %add3A_413 : vector<16xi32>
          %gather3A_439 = tpu.vector_load_idx %arg10[%add3A_438] : memref<1024xi32, #tpu.memory_space<vmem>>[vector<16xi32>], vector<16xi32>,
          %add3A_440 = arith.addi %mul3A_165, %add3A_415 : vector<16xi32>
          %gather3A_441 = tpu.vector_load_idx %arg10[%add3A_440] : memref<1024xi32, #tpu.memory_space<vmem>>[vector<16xi32>], vector<16xi32>,
          %add3A_442 = arith.addi %mul3A_165, %add3A_417 : vector<16xi32>
          %gather3A_443 = tpu.vector_load_idx %arg10[%add3A_442] : memref<1024xi32, #tpu.memory_space<vmem>>[vector<16xi32>], vector<16xi32>,
          %add3A_444 = arith.addi %mul3A_165, %add3A_419 : vector<16xi32>
          %gather3A_445 = tpu.vector_load_idx %arg10[%add3A_444] : memref<1024xi32, #tpu.memory_space<vmem>>[vector<16xi32>], vector<16xi32>,
          %lt3A_446 = arith.cmpi slt, %gather3A_431, %xor3A : vector<16xi32>
          %lt3A_447 = arith.cmpi slt, %gather3A_433, %xor3A_263 : vector<16xi32>
          %lt3A_448 = arith.cmpi slt, %gather3A_435, %xor3A_268 : vector<16xi32>
          %lt3A_449 = arith.cmpi slt, %gather3A_437, %xor3A_273 : vector<16xi32>
          %lt3A_450 = arith.cmpi slt, %gather3A_439, %xor3A_294 : vector<16xi32>
          %lt3A_451 = arith.cmpi slt, %gather3A_441, %xor3A_299 : vector<16xi32>
          %lt3A_452 = arith.cmpi slt, %gather3A_443, %xor3A_304 : vector<16xi32>
          %lt3A_453 = arith.cmpi slt, %gather3A_445, %xor3A_309 : vector<16xi32>
          %or3A_454 = arith.ori %lt3A_446, %lt3A_447 : vector<16xi1>
          %or3A_455 = arith.ori %or3A_454, %lt3A_448 : vector<16xi1>
          %or3A_456 = arith.ori %or3A_455, %lt3A_449 : vector<16xi1>
          %or3A_457 = arith.ori %or3A_456, %lt3A_450 : vector<16xi1>
          %or3A_458 = arith.ori %or3A_457, %lt3A_451 : vector<16xi1>
          %or3A_459 = arith.ori %or3A_458, %lt3A_452 : vector<16xi1>
          %or3A_460 = arith.ori %or3A_459, %lt3A_453 : vector<16xi1>
          %convert_element_type3A_461 = arith.extui %lt3A_446 : vector<16xi1> to vector<16xi32>
          %add3A_462 = arith.addi %add3A_405, %convert_element_type3A_461 : vector<16xi32>
          %convert_element_type3A_463 = arith.extui %lt3A_447 : vector<16xi1> to vector<16xi32>
          %add3A_464 = arith.addi %add3A_407, %convert_element_type3A_463 : vector<16xi32>
          %convert_element_type3A_465 = arith.extui %lt3A_448 : vector<16xi1> to vector<16xi32>
          %add3A_466 = arith.addi %add3A_409, %convert_element_type3A_465 : vector<16xi32>
          %convert_element_type3A_467 = arith.extui %lt3A_449 : vector<16xi1> to vector<16xi32>
          %add3A_468 = arith.addi %add3A_411, %convert_element_type3A_467 : vector<16xi32>
          %convert_element_type3A_469 = arith.extui %lt3A_450 : vector<16xi1> to vector<16xi32>
          %add3A_470 = arith.addi %add3A_413, %convert_element_type3A_469 : vector<16xi32>
          %convert_element_type3A_471 = arith.extui %lt3A_451 : vector<16xi1> to vector<16xi32>
          %add3A_472 = arith.addi %add3A_415, %convert_element_type3A_471 : vector<16xi32>
          %convert_element_type3A_473 = arith.extui %lt3A_452 : vector<16xi1> to vector<16xi32>
          %add3A_474 = arith.addi %add3A_417, %convert_element_type3A_473 : vector<16xi32>
          %convert_element_type3A_475 = arith.extui %lt3A_453 : vector<16xi1> to vector<16xi32>
          %add3A_476 = arith.addi %add3A_419, %convert_element_type3A_475 : vector<16xi32>
          %reduce_or3A_477 = arith.constant 1.000000e+00 : f32
          %reduce_or3A_478 = arith.constant 0.000000e+00 : f32
          %reduce_or3A_479 = vector.broadcast %reduce_or3A_477 : f32 to vector<16xf32>
          %reduce_or3A_480 = vector.broadcast %reduce_or3A_478 : f32 to vector<16xf32>
          %reduce_or3A_481 = arith.select %or3A_460, %reduce_or3A_479, %reduce_or3A_480 : vector<16xi1>, vector<16xf32>
          %reduce_or3A_482 = arith.constant true
          %reduce_or3A_483 = vector.broadcast %reduce_or3A_482 : i1 to vector<16xi1>
          %reduce_or3A_484 = tpu.scan <max>, %reduce_or3A_481 masked %reduce_or3A_483 : vector<16xf32>, vector<16xi1> -> vector<16xf32>
          %reduce_or3A_485 = vector.extract %reduce_or3A_484[15] : f32 from vector<16xf32>
          %reduce_or3A_486 = arith.constant 0.000000e+00 : f32
          %reduce_or3A_487 = arith.cmpf ogt, %reduce_or3A_485, %reduce_or3A_486 : f32
          %add3A_488 = arith.addi %mul3A_162, %add3A_462 : vector<16xi32>
          %gather3A_489 = tpu.vector_load_idx %arg10[%add3A_488] : memref<1024xi32, #tpu.memory_space<vmem>>[vector<16xi32>], vector<16xi32>,
          %add3A_490 = arith.addi %mul3A_162, %add3A_464 : vector<16xi32>
          %gather3A_491 = tpu.vector_load_idx %arg10[%add3A_490] : memref<1024xi32, #tpu.memory_space<vmem>>[vector<16xi32>], vector<16xi32>,
          %add3A_492 = arith.addi %mul3A_162, %add3A_466 : vector<16xi32>
          %gather3A_493 = tpu.vector_load_idx %arg10[%add3A_492] : memref<1024xi32, #tpu.memory_space<vmem>>[vector<16xi32>], vector<16xi32>,
          %add3A_494 = arith.addi %mul3A_162, %add3A_468 : vector<16xi32>
          %gather3A_495 = tpu.vector_load_idx %arg10[%add3A_494] : memref<1024xi32, #tpu.memory_space<vmem>>[vector<16xi32>], vector<16xi32>,
          %add3A_496 = arith.addi %mul3A_165, %add3A_470 : vector<16xi32>
          %gather3A_497 = tpu.vector_load_idx %arg10[%add3A_496] : memref<1024xi32, #tpu.memory_space<vmem>>[vector<16xi32>], vector<16xi32>,
          %add3A_498 = arith.addi %mul3A_165, %add3A_472 : vector<16xi32>
          %gather3A_499 = tpu.vector_load_idx %arg10[%add3A_498] : memref<1024xi32, #tpu.memory_space<vmem>>[vector<16xi32>], vector<16xi32>,
          %add3A_500 = arith.addi %mul3A_165, %add3A_474 : vector<16xi32>
          %gather3A_501 = tpu.vector_load_idx %arg10[%add3A_500] : memref<1024xi32, #tpu.memory_space<vmem>>[vector<16xi32>], vector<16xi32>,
          %add3A_502 = arith.addi %mul3A_165, %add3A_476 : vector<16xi32>
          %gather3A_503 = tpu.vector_load_idx %arg10[%add3A_502] : memref<1024xi32, #tpu.memory_space<vmem>>[vector<16xi32>], vector<16xi32>,
          %lt3A_504 = arith.cmpi slt, %gather3A_489, %xor3A : vector<16xi32>
          %lt3A_505 = arith.cmpi slt, %gather3A_491, %xor3A_263 : vector<16xi32>
          %lt3A_506 = arith.cmpi slt, %gather3A_493, %xor3A_268 : vector<16xi32>
          %lt3A_507 = arith.cmpi slt, %gather3A_495, %xor3A_273 : vector<16xi32>
          %lt3A_508 = arith.cmpi slt, %gather3A_497, %xor3A_294 : vector<16xi32>
          %lt3A_509 = arith.cmpi slt, %gather3A_499, %xor3A_299 : vector<16xi32>
          %lt3A_510 = arith.cmpi slt, %gather3A_501, %xor3A_304 : vector<16xi32>
          %lt3A_511 = arith.cmpi slt, %gather3A_503, %xor3A_309 : vector<16xi32>
          %or3A_512 = arith.ori %lt3A_504, %lt3A_505 : vector<16xi1>
          %or3A_513 = arith.ori %or3A_512, %lt3A_506 : vector<16xi1>
          %or3A_514 = arith.ori %or3A_513, %lt3A_507 : vector<16xi1>
          %or3A_515 = arith.ori %or3A_514, %lt3A_508 : vector<16xi1>
          %or3A_516 = arith.ori %or3A_515, %lt3A_509 : vector<16xi1>
          %or3A_517 = arith.ori %or3A_516, %lt3A_510 : vector<16xi1>
          %or3A_518 = arith.ori %or3A_517, %lt3A_511 : vector<16xi1>
          %convert_element_type3A_519 = arith.extui %lt3A_504 : vector<16xi1> to vector<16xi32>
          %add3A_520 = arith.addi %add3A_462, %convert_element_type3A_519 : vector<16xi32>
          %convert_element_type3A_521 = arith.extui %lt3A_505 : vector<16xi1> to vector<16xi32>
          %add3A_522 = arith.addi %add3A_464, %convert_element_type3A_521 : vector<16xi32>
          %convert_element_type3A_523 = arith.extui %lt3A_506 : vector<16xi1> to vector<16xi32>
          %add3A_524 = arith.addi %add3A_466, %convert_element_type3A_523 : vector<16xi32>
          %convert_element_type3A_525 = arith.extui %lt3A_507 : vector<16xi1> to vector<16xi32>
          %add3A_526 = arith.addi %add3A_468, %convert_element_type3A_525 : vector<16xi32>
          %convert_element_type3A_527 = arith.extui %lt3A_508 : vector<16xi1> to vector<16xi32>
          %add3A_528 = arith.addi %add3A_470, %convert_element_type3A_527 : vector<16xi32>
          %convert_element_type3A_529 = arith.extui %lt3A_509 : vector<16xi1> to vector<16xi32>
          %add3A_530 = arith.addi %add3A_472, %convert_element_type3A_529 : vector<16xi32>
          %convert_element_type3A_531 = arith.extui %lt3A_510 : vector<16xi1> to vector<16xi32>
          %add3A_532 = arith.addi %add3A_474, %convert_element_type3A_531 : vector<16xi32>
          %convert_element_type3A_533 = arith.extui %lt3A_511 : vector<16xi1> to vector<16xi32>
          %add3A_534 = arith.addi %add3A_476, %convert_element_type3A_533 : vector<16xi32>
          %reduce_or3A_535 = arith.constant 1.000000e+00 : f32
          %reduce_or3A_536 = arith.constant 0.000000e+00 : f32
          %reduce_or3A_537 = vector.broadcast %reduce_or3A_535 : f32 to vector<16xf32>
          %reduce_or3A_538 = vector.broadcast %reduce_or3A_536 : f32 to vector<16xf32>
          %reduce_or3A_539 = arith.select %or3A_518, %reduce_or3A_537, %reduce_or3A_538 : vector<16xi1>, vector<16xf32>
          %reduce_or3A_540 = arith.constant true
          %reduce_or3A_541 = vector.broadcast %reduce_or3A_540 : i1 to vector<16xi1>
          %reduce_or3A_542 = tpu.scan <max>, %reduce_or3A_539 masked %reduce_or3A_541 : vector<16xf32>, vector<16xi1> -> vector<16xf32>
          %reduce_or3A_543 = vector.extract %reduce_or3A_542[15] : f32 from vector<16xf32>
          %reduce_or3A_544 = arith.constant 0.000000e+00 : f32
          %reduce_or3A_545 = arith.cmpf ogt, %reduce_or3A_543, %reduce_or3A_544 : f32
          %while3A_546:17 = scf.while (%while3A_562 = %add3A_520, %while3A_563 = %add3A_522, %while3A_564 = %add3A_524, %while3A_565 = %add3A_526, %while3A_566 = %add3A_528, %while3A_567 = %add3A_530, %while3A_568 = %add3A_532, %while3A_569 = %add3A_534, %while3A_570 = %gather3A_489, %while3A_571 = %gather3A_491, %while3A_572 = %gather3A_493, %while3A_573 = %gather3A_495, %while3A_574 = %gather3A_497, %while3A_575 = %gather3A_499, %while3A_576 = %gather3A_501, %while3A_577 = %gather3A_503, %while3A_578 = %reduce_or3A_545) : (vector<16xi32>, vector<16xi32>, vector<16xi32>, vector<16xi32>, vector<16xi32>, vector<16xi32>, vector<16xi32>, vector<16xi32>, vector<16xi32>, vector<16xi32>, vector<16xi32>, vector<16xi32>, vector<16xi32>, vector<16xi32>, vector<16xi32>, vector<16xi32>, i1) -> (vector<16xi32>, vector<16xi32>, vector<16xi32>, vector<16xi32>, vector<16xi32>, vector<16xi32>, vector<16xi32>, vector<16xi32>, vector<16xi32>, vector<16xi32>, vector<16xi32>, vector<16xi32>, vector<16xi32>, vector<16xi32>, vector<16xi32>, vector<16xi32>, i1) {
            scf.condition(%while3A_578) %while3A_562, %while3A_563, %while3A_564, %while3A_565, %while3A_566, %while3A_567, %while3A_568, %while3A_569, %while3A_570, %while3A_571, %while3A_572, %while3A_573, %while3A_574, %while3A_575, %while3A_576, %while3A_577, %while3A_578 : vector<16xi32>, vector<16xi32>, vector<16xi32>, vector<16xi32>, vector<16xi32>, vector<16xi32>, vector<16xi32>, vector<16xi32>, vector<16xi32>, vector<16xi32>, vector<16xi32>, vector<16xi32>, vector<16xi32>, vector<16xi32>, vector<16xi32>, vector<16xi32>, i1
          } do {
          ^bb0(%while3A_562: vector<16xi32>, %while3A_563: vector<16xi32>, %while3A_564: vector<16xi32>, %while3A_565: vector<16xi32>, %while3A_566: vector<16xi32>, %while3A_567: vector<16xi32>, %while3A_568: vector<16xi32>, %while3A_569: vector<16xi32>, %while3A_570: vector<16xi32>, %while3A_571: vector<16xi32>, %while3A_572: vector<16xi32>, %while3A_573: vector<16xi32>, %while3A_574: vector<16xi32>, %while3A_575: vector<16xi32>, %while3A_576: vector<16xi32>, %while3A_577: vector<16xi32>, %while3A_578: i1):
            %add3A_579 = arith.addi %mul3A_162, %while3A_562 : vector<16xi32>
            %gather3A_580 = tpu.vector_load_idx %arg10[%add3A_579] : memref<1024xi32, #tpu.memory_space<vmem>>[vector<16xi32>], vector<16xi32>,
            %add3A_581 = arith.addi %mul3A_162, %while3A_563 : vector<16xi32>
            %gather3A_582 = tpu.vector_load_idx %arg10[%add3A_581] : memref<1024xi32, #tpu.memory_space<vmem>>[vector<16xi32>], vector<16xi32>,
            %add3A_583 = arith.addi %mul3A_162, %while3A_564 : vector<16xi32>
            %gather3A_584 = tpu.vector_load_idx %arg10[%add3A_583] : memref<1024xi32, #tpu.memory_space<vmem>>[vector<16xi32>], vector<16xi32>,
            %add3A_585 = arith.addi %mul3A_162, %while3A_565 : vector<16xi32>
            %gather3A_586 = tpu.vector_load_idx %arg10[%add3A_585] : memref<1024xi32, #tpu.memory_space<vmem>>[vector<16xi32>], vector<16xi32>,
            %add3A_587 = arith.addi %mul3A_165, %while3A_566 : vector<16xi32>
            %gather3A_588 = tpu.vector_load_idx %arg10[%add3A_587] : memref<1024xi32, #tpu.memory_space<vmem>>[vector<16xi32>], vector<16xi32>,
            %add3A_589 = arith.addi %mul3A_165, %while3A_567 : vector<16xi32>
            %gather3A_590 = tpu.vector_load_idx %arg10[%add3A_589] : memref<1024xi32, #tpu.memory_space<vmem>>[vector<16xi32>], vector<16xi32>,
            %add3A_591 = arith.addi %mul3A_165, %while3A_568 : vector<16xi32>
            %gather3A_592 = tpu.vector_load_idx %arg10[%add3A_591] : memref<1024xi32, #tpu.memory_space<vmem>>[vector<16xi32>], vector<16xi32>,
            %add3A_593 = arith.addi %mul3A_165, %while3A_569 : vector<16xi32>
            %gather3A_594 = tpu.vector_load_idx %arg10[%add3A_593] : memref<1024xi32, #tpu.memory_space<vmem>>[vector<16xi32>], vector<16xi32>,
            %lt3A_595 = arith.cmpi slt, %gather3A_580, %xor3A : vector<16xi32>
            %lt3A_596 = arith.cmpi slt, %gather3A_582, %xor3A_263 : vector<16xi32>
            %lt3A_597 = arith.cmpi slt, %gather3A_584, %xor3A_268 : vector<16xi32>
            %lt3A_598 = arith.cmpi slt, %gather3A_586, %xor3A_273 : vector<16xi32>
            %lt3A_599 = arith.cmpi slt, %gather3A_588, %xor3A_294 : vector<16xi32>
            %lt3A_600 = arith.cmpi slt, %gather3A_590, %xor3A_299 : vector<16xi32>
            %lt3A_601 = arith.cmpi slt, %gather3A_592, %xor3A_304 : vector<16xi32>
            %lt3A_602 = arith.cmpi slt, %gather3A_594, %xor3A_309 : vector<16xi32>
            %or3A_603 = arith.ori %lt3A_595, %lt3A_596 : vector<16xi1>
            %or3A_604 = arith.ori %or3A_603, %lt3A_597 : vector<16xi1>
            %or3A_605 = arith.ori %or3A_604, %lt3A_598 : vector<16xi1>
            %or3A_606 = arith.ori %or3A_605, %lt3A_599 : vector<16xi1>
            %or3A_607 = arith.ori %or3A_606, %lt3A_600 : vector<16xi1>
            %or3A_608 = arith.ori %or3A_607, %lt3A_601 : vector<16xi1>
            %or3A_609 = arith.ori %or3A_608, %lt3A_602 : vector<16xi1>
            %convert_element_type3A_610 = arith.extui %lt3A_595 : vector<16xi1> to vector<16xi32>
            %add3A_611 = arith.addi %while3A_562, %convert_element_type3A_610 : vector<16xi32>
            %convert_element_type3A_612 = arith.extui %lt3A_596 : vector<16xi1> to vector<16xi32>
            %add3A_613 = arith.addi %while3A_563, %convert_element_type3A_612 : vector<16xi32>
            %convert_element_type3A_614 = arith.extui %lt3A_597 : vector<16xi1> to vector<16xi32>
            %add3A_615 = arith.addi %while3A_564, %convert_element_type3A_614 : vector<16xi32>
            %convert_element_type3A_616 = arith.extui %lt3A_598 : vector<16xi1> to vector<16xi32>
            %add3A_617 = arith.addi %while3A_565, %convert_element_type3A_616 : vector<16xi32>
            %convert_element_type3A_618 = arith.extui %lt3A_599 : vector<16xi1> to vector<16xi32>
            %add3A_619 = arith.addi %while3A_566, %convert_element_type3A_618 : vector<16xi32>
            %convert_element_type3A_620 = arith.extui %lt3A_600 : vector<16xi1> to vector<16xi32>
            %add3A_621 = arith.addi %while3A_567, %convert_element_type3A_620 : vector<16xi32>
            %convert_element_type3A_622 = arith.extui %lt3A_601 : vector<16xi1> to vector<16xi32>
            %add3A_623 = arith.addi %while3A_568, %convert_element_type3A_622 : vector<16xi32>
            %convert_element_type3A_624 = arith.extui %lt3A_602 : vector<16xi1> to vector<16xi32>
            %add3A_625 = arith.addi %while3A_569, %convert_element_type3A_624 : vector<16xi32>
            %reduce_or3A_626 = arith.constant 1.000000e+00 : f32
            %reduce_or3A_627 = arith.constant 0.000000e+00 : f32
            %reduce_or3A_628 = vector.broadcast %reduce_or3A_626 : f32 to vector<16xf32>
            %reduce_or3A_629 = vector.broadcast %reduce_or3A_627 : f32 to vector<16xf32>
            %reduce_or3A_630 = arith.select %or3A_609, %reduce_or3A_628, %reduce_or3A_629 : vector<16xi1>, vector<16xf32>
            %reduce_or3A_631 = arith.constant true
            %reduce_or3A_632 = vector.broadcast %reduce_or3A_631 : i1 to vector<16xi1>
            %reduce_or3A_633 = tpu.scan <max>, %reduce_or3A_630 masked %reduce_or3A_632 : vector<16xf32>, vector<16xi1> -> vector<16xf32>
            %reduce_or3A_634 = vector.extract %reduce_or3A_633[15] : f32 from vector<16xf32>
            %reduce_or3A_635 = arith.constant 0.000000e+00 : f32
            %reduce_or3A_636 = arith.cmpf ogt, %reduce_or3A_634, %reduce_or3A_635 : f32
            scf.yield %add3A_611, %add3A_613, %add3A_615, %add3A_617, %add3A_619, %add3A_621, %add3A_623, %add3A_625, %gather3A_580, %gather3A_582, %gather3A_584, %gather3A_586, %gather3A_588, %gather3A_590, %gather3A_592, %gather3A_594, %reduce_or3A_636 : vector<16xi32>, vector<16xi32>, vector<16xi32>, vector<16xi32>, vector<16xi32>, vector<16xi32>, vector<16xi32>, vector<16xi32>, vector<16xi32>, vector<16xi32>, vector<16xi32>, vector<16xi32>, vector<16xi32>, vector<16xi32>, vector<16xi32>, vector<16xi32>, i1
          }
          %add3A_547 = arith.addi %broadcast_in_dim3A_174, %while3A_546#0 : vector<16xi32>
          %eq3A = arith.cmpi eq, %while3A_546#8, %xor3A : vector<16xi32>
          tpu.vector_store_idx %arg19[%add3A_547], %broadcast_in_dim3A_150 masked %eq3A : memref<4096xi32, #tpu.memory_space<vmem>>[vector<16xi32>], vector<16xi32>, vector<16xi1>
          %add3A_548 = arith.addi %broadcast_in_dim3A_174, %while3A_546#1 : vector<16xi32>
          %eq3A_549 = arith.cmpi eq, %while3A_546#9, %xor3A_263 : vector<16xi32>
          tpu.vector_store_idx %arg19[%add3A_548], %broadcast_in_dim3A_150 masked %eq3A_549 : memref<4096xi32, #tpu.memory_space<vmem>>[vector<16xi32>], vector<16xi32>, vector<16xi1>
          %add3A_550 = arith.addi %broadcast_in_dim3A_174, %while3A_546#2 : vector<16xi32>
          %eq3A_551 = arith.cmpi eq, %while3A_546#10, %xor3A_268 : vector<16xi32>
          tpu.vector_store_idx %arg19[%add3A_550], %broadcast_in_dim3A_150 masked %eq3A_551 : memref<4096xi32, #tpu.memory_space<vmem>>[vector<16xi32>], vector<16xi32>, vector<16xi1>
          %add3A_552 = arith.addi %broadcast_in_dim3A_174, %while3A_546#3 : vector<16xi32>
          %eq3A_553 = arith.cmpi eq, %while3A_546#11, %xor3A_273 : vector<16xi32>
          tpu.vector_store_idx %arg19[%add3A_552], %broadcast_in_dim3A_150 masked %eq3A_553 : memref<4096xi32, #tpu.memory_space<vmem>>[vector<16xi32>], vector<16xi32>, vector<16xi1>
          %add3A_554 = arith.addi %broadcast_in_dim3A_177, %while3A_546#4 : vector<16xi32>
          %eq3A_555 = arith.cmpi eq, %while3A_546#12, %xor3A_294 : vector<16xi32>
          tpu.vector_store_idx %arg19[%add3A_554], %broadcast_in_dim3A_154 masked %eq3A_555 : memref<4096xi32, #tpu.memory_space<vmem>>[vector<16xi32>], vector<16xi32>, vector<16xi1>
          %add3A_556 = arith.addi %broadcast_in_dim3A_177, %while3A_546#5 : vector<16xi32>
          %eq3A_557 = arith.cmpi eq, %while3A_546#13, %xor3A_299 : vector<16xi32>
          tpu.vector_store_idx %arg19[%add3A_556], %broadcast_in_dim3A_154 masked %eq3A_557 : memref<4096xi32, #tpu.memory_space<vmem>>[vector<16xi32>], vector<16xi32>, vector<16xi1>
          %add3A_558 = arith.addi %broadcast_in_dim3A_177, %while3A_546#6 : vector<16xi32>
          %eq3A_559 = arith.cmpi eq, %while3A_546#14, %xor3A_304 : vector<16xi32>
          tpu.vector_store_idx %arg19[%add3A_558], %broadcast_in_dim3A_154 masked %eq3A_559 : memref<4096xi32, #tpu.memory_space<vmem>>[vector<16xi32>], vector<16xi32>, vector<16xi1>
          %add3A_560 = arith.addi %broadcast_in_dim3A_177, %while3A_546#7 : vector<16xi32>
          %eq3A_561 = arith.cmpi eq, %while3A_546#15, %xor3A_309 : vector<16xi32>
          tpu.vector_store_idx %arg19[%add3A_560], %broadcast_in_dim3A_154 masked %eq3A_561 : memref<4096xi32, #tpu.memory_space<vmem>>[vector<16xi32>], vector<16xi32>, vector<16xi1>
        }
        %while3A_204 = arith.constant 1 : i32
        scf.for %while3A_217 = %while3A_202 to %while3A_198 step %while3A_204  : i32 {
          %mul3A_218 = arith.constant 64 : i32
          %mul3A_219 = arith.muli %while3A_217, %mul3A_218 : i32
          %add3A_220 = arith.constant 0 : i32
          %add3A_221 = arith.addi %mul3A_219, %add3A_220 : i32
          %add3A_222 = vector.broadcast %add3A_221 : i32 to vector<16xi32>
          %add3A_223 = arith.addi %add3A_222, %iota3A : vector<16xi32>
          %mul3A_224 = arith.constant 64 : i32
          %mul3A_225 = arith.muli %while3A_217, %mul3A_224 : i32
          %add3A_226 = arith.constant 16 : i32
          %add3A_227 = arith.addi %mul3A_225, %add3A_226 : i32
          %add3A_228 = vector.broadcast %add3A_227 : i32 to vector<16xi32>
          %add3A_229 = arith.addi %add3A_228, %iota3A : vector<16xi32>
          %mul3A_230 = arith.constant 64 : i32
          %mul3A_231 = arith.muli %while3A_217, %mul3A_230 : i32
          %add3A_232 = arith.constant 32 : i32
          %add3A_233 = arith.addi %mul3A_231, %add3A_232 : i32
          %add3A_234 = vector.broadcast %add3A_233 : i32 to vector<16xi32>
          %add3A_235 = arith.addi %add3A_234, %iota3A : vector<16xi32>
          %mul3A_236 = arith.constant 64 : i32
          %mul3A_237 = arith.muli %while3A_217, %mul3A_236 : i32
          %add3A_238 = arith.constant 48 : i32
          %add3A_239 = arith.addi %mul3A_237, %add3A_238 : i32
          %add3A_240 = vector.broadcast %add3A_239 : i32 to vector<16xi32>
          %add3A_241 = arith.addi %add3A_240, %iota3A : vector<16xi32>
          %min3A = arith.constant 360 : i32
          %min3A_242 = vector.broadcast %min3A : i32 to vector<16xi32>
          %min3A_243 = arith.minsi %add3A_223, %min3A_242 : vector<16xi32>
          %gather3A_244 = tpu.vector_load_idx %arg16[%broadcast_in_dim3A_144, %min3A_243] : memref<16x361xi32, #tpu.memory_space<vmem>>[vector<16xi32>, vector<16xi32>], vector<16xi32>,
          %min3A_245 = arith.constant 360 : i32
          %min3A_246 = vector.broadcast %min3A_245 : i32 to vector<16xi32>
          %min3A_247 = arith.minsi %add3A_229, %min3A_246 : vector<16xi32>
          %gather3A_248 = tpu.vector_load_idx %arg16[%broadcast_in_dim3A_144, %min3A_247] : memref<16x361xi32, #tpu.memory_space<vmem>>[vector<16xi32>, vector<16xi32>], vector<16xi32>,
          %min3A_249 = arith.constant 360 : i32
          %min3A_250 = vector.broadcast %min3A_249 : i32 to vector<16xi32>
          %min3A_251 = arith.minsi %add3A_235, %min3A_250 : vector<16xi32>
          %gather3A_252 = tpu.vector_load_idx %arg16[%broadcast_in_dim3A_144, %min3A_251] : memref<16x361xi32, #tpu.memory_space<vmem>>[vector<16xi32>, vector<16xi32>], vector<16xi32>,
          %min3A_253 = arith.constant 360 : i32
          %min3A_254 = vector.broadcast %min3A_253 : i32 to vector<16xi32>
          %min3A_255 = arith.minsi %add3A_241, %min3A_254 : vector<16xi32>
          %gather3A_256 = tpu.vector_load_idx %arg16[%broadcast_in_dim3A_144, %min3A_255] : memref<16x361xi32, #tpu.memory_space<vmem>>[vector<16xi32>, vector<16xi32>], vector<16xi32>,
          %lt3A_257 = arith.cmpi slt, %add3A_223, %gather3A : vector<16xi32>
          %jit3A = arith.constant 2147483647 : i32
          %broadcast_in_dim3A_258 = vector.broadcast %jit3A : i32 to vector<16xi32>
          %select_n3A = arith.select %lt3A_257, %gather3A_244, %broadcast_in_dim3A_258 : vector<16xi1>, vector<16xi32>
          %xor3A = arith.xori %select_n3A, %gather3A_156 : vector<16xi32>
          %lt3A_259 = arith.cmpi slt, %add3A_229, %gather3A : vector<16xi32>
          %jit3A_260 = arith.constant 2147483647 : i32
          %broadcast_in_dim3A_261 = vector.broadcast %jit3A_260 : i32 to vector<16xi32>
          %select_n3A_262 = arith.select %lt3A_259, %gather3A_248, %broadcast_in_dim3A_261 : vector<16xi1>, vector<16xi32>
          %xor3A_263 = arith.xori %select_n3A_262, %gather3A_156 : vector<16xi32>
          %lt3A_264 = arith.cmpi slt, %add3A_235, %gather3A : vector<16xi32>
          %jit3A_265 = arith.constant 2147483647 : i32
          %broadcast_in_dim3A_266 = vector.broadcast %jit3A_265 : i32 to vector<16xi32>
          %select_n3A_267 = arith.select %lt3A_264, %gather3A_252, %broadcast_in_dim3A_266 : vector<16xi1>, vector<16xi32>
          %xor3A_268 = arith.xori %select_n3A_267, %gather3A_156 : vector<16xi32>
          %lt3A_269 = arith.cmpi slt, %add3A_241, %gather3A : vector<16xi32>
          %jit3A_270 = arith.constant 2147483647 : i32
          %broadcast_in_dim3A_271 = vector.broadcast %jit3A_270 : i32 to vector<16xi32>
          %select_n3A_272 = arith.select %lt3A_269, %gather3A_256, %broadcast_in_dim3A_271 : vector<16xi1>, vector<16xi32>
          %xor3A_273 = arith.xori %select_n3A_272, %gather3A_156 : vector<16xi32>
          %min3A_274 = arith.constant 360 : i32
          %min3A_275 = vector.broadcast %min3A_274 : i32 to vector<16xi32>
          %min3A_276 = arith.minsi %add3A_223, %min3A_275 : vector<16xi32>
          %gather3A_277 = tpu.vector_load_idx %arg16[%broadcast_in_dim3A_146, %min3A_276] : memref<16x361xi32, #tpu.memory_space<vmem>>[vector<16xi32>, vector<16xi32>], vector<16xi32>,
          %min3A_278 = arith.constant 360 : i32
          %min3A_279 = vector.broadcast %min3A_278 : i32 to vector<16xi32>
          %min3A_280 = arith.minsi %add3A_229, %min3A_279 : vector<16xi32>
          %gather3A_281 = tpu.vector_load_idx %arg16[%broadcast_in_dim3A_146, %min3A_280] : memref<16x361xi32, #tpu.memory_space<vmem>>[vector<16xi32>, vector<16xi32>], vector<16xi32>,
          %min3A_282 = arith.constant 360 : i32
          %min3A_283 = vector.broadcast %min3A_282 : i32 to vector<16xi32>
          %min3A_284 = arith.minsi %add3A_235, %min3A_283 : vector<16xi32>
          %gather3A_285 = tpu.vector_load_idx %arg16[%broadcast_in_dim3A_146, %min3A_284] : memref<16x361xi32, #tpu.memory_space<vmem>>[vector<16xi32>, vector<16xi32>], vector<16xi32>,
          %min3A_286 = arith.constant 360 : i32
          %min3A_287 = vector.broadcast %min3A_286 : i32 to vector<16xi32>
          %min3A_288 = arith.minsi %add3A_241, %min3A_287 : vector<16xi32>
          %gather3A_289 = tpu.vector_load_idx %arg16[%broadcast_in_dim3A_146, %min3A_288] : memref<16x361xi32, #tpu.memory_space<vmem>>[vector<16xi32>, vector<16xi32>], vector<16xi32>,
          %lt3A_290 = arith.cmpi slt, %add3A_223, %gather3A_155 : vector<16xi32>
          %jit3A_291 = arith.constant 2147483647 : i32
          %broadcast_in_dim3A_292 = vector.broadcast %jit3A_291 : i32 to vector<16xi32>
          %select_n3A_293 = arith.select %lt3A_290, %gather3A_277, %broadcast_in_dim3A_292 : vector<16xi1>, vector<16xi32>
          %xor3A_294 = arith.xori %select_n3A_293, %gather3A_157 : vector<16xi32>
          %lt3A_295 = arith.cmpi slt, %add3A_229, %gather3A_155 : vector<16xi32>
          %jit3A_296 = arith.constant 2147483647 : i32
          %broadcast_in_dim3A_297 = vector.broadcast %jit3A_296 : i32 to vector<16xi32>
          %select_n3A_298 = arith.select %lt3A_295, %gather3A_281, %broadcast_in_dim3A_297 : vector<16xi1>, vector<16xi32>
          %xor3A_299 = arith.xori %select_n3A_298, %gather3A_157 : vector<16xi32>
          %lt3A_300 = arith.cmpi slt, %add3A_235, %gather3A_155 : vector<16xi32>
          %jit3A_301 = arith.constant 2147483647 : i32
          %broadcast_in_dim3A_302 = vector.broadcast %jit3A_301 : i32 to vector<16xi32>
          %select_n3A_303 = arith.select %lt3A_300, %gather3A_285, %broadcast_in_dim3A_302 : vector<16xi1>, vector<16xi32>
          %xor3A_304 = arith.xori %select_n3A_303, %gather3A_157 : vector<16xi32>
          %lt3A_305 = arith.cmpi slt, %add3A_241, %gather3A_155 : vector<16xi32>
          %jit3A_306 = arith.constant 2147483647 : i32
          %broadcast_in_dim3A_307 = vector.broadcast %jit3A_306 : i32 to vector<16xi32>
          %select_n3A_308 = arith.select %lt3A_305, %gather3A_289, %broadcast_in_dim3A_307 : vector<16xi1>, vector<16xi32>
          %xor3A_309 = arith.xori %select_n3A_308, %gather3A_157 : vector<16xi32>
          %max3A_310 = arith.constant 0 : i32
          %max3A_311 = vector.broadcast %max3A_310 : i32 to vector<16xi32>
          %max3A_312 = arith.maxsi %xor3A, %max3A_311 : vector<16xi32>
          %shift_right_arithmetic3A_313 = arith.constant 20 : i32
          %shift_right_arithmetic3A_314 = vector.broadcast %shift_right_arithmetic3A_313 : i32 to vector<16xi32>
          %shift_right_arithmetic3A_315 = arith.shrsi %max3A_312, %shift_right_arithmetic3A_314 : vector<16xi32>
          %max3A_316 = arith.constant 0 : i32
          %max3A_317 = vector.broadcast %max3A_316 : i32 to vector<16xi32>
          %max3A_318 = arith.maxsi %xor3A_263, %max3A_317 : vector<16xi32>
          %shift_right_arithmetic3A_319 = arith.constant 20 : i32
          %shift_right_arithmetic3A_320 = vector.broadcast %shift_right_arithmetic3A_319 : i32 to vector<16xi32>
          %shift_right_arithmetic3A_321 = arith.shrsi %max3A_318, %shift_right_arithmetic3A_320 : vector<16xi32>
          %max3A_322 = arith.constant 0 : i32
          %max3A_323 = vector.broadcast %max3A_322 : i32 to vector<16xi32>
          %max3A_324 = arith.maxsi %xor3A_268, %max3A_323 : vector<16xi32>
          %shift_right_arithmetic3A_325 = arith.constant 20 : i32
          %shift_right_arithmetic3A_326 = vector.broadcast %shift_right_arithmetic3A_325 : i32 to vector<16xi32>
          %shift_right_arithmetic3A_327 = arith.shrsi %max3A_324, %shift_right_arithmetic3A_326 : vector<16xi32>
          %max3A_328 = arith.constant 0 : i32
          %max3A_329 = vector.broadcast %max3A_328 : i32 to vector<16xi32>
          %max3A_330 = arith.maxsi %xor3A_273, %max3A_329 : vector<16xi32>
          %shift_right_arithmetic3A_331 = arith.constant 20 : i32
          %shift_right_arithmetic3A_332 = vector.broadcast %shift_right_arithmetic3A_331 : i32 to vector<16xi32>
          %shift_right_arithmetic3A_333 = arith.shrsi %max3A_330, %shift_right_arithmetic3A_332 : vector<16xi32>
          %max3A_334 = arith.constant 0 : i32
          %max3A_335 = vector.broadcast %max3A_334 : i32 to vector<16xi32>
          %max3A_336 = arith.maxsi %xor3A_294, %max3A_335 : vector<16xi32>
          %shift_right_arithmetic3A_337 = arith.constant 20 : i32
          %shift_right_arithmetic3A_338 = vector.broadcast %shift_right_arithmetic3A_337 : i32 to vector<16xi32>
          %shift_right_arithmetic3A_339 = arith.shrsi %max3A_336, %shift_right_arithmetic3A_338 : vector<16xi32>
          %max3A_340 = arith.constant 0 : i32
          %max3A_341 = vector.broadcast %max3A_340 : i32 to vector<16xi32>
          %max3A_342 = arith.maxsi %xor3A_299, %max3A_341 : vector<16xi32>
          %shift_right_arithmetic3A_343 = arith.constant 20 : i32
          %shift_right_arithmetic3A_344 = vector.broadcast %shift_right_arithmetic3A_343 : i32 to vector<16xi32>
          %shift_right_arithmetic3A_345 = arith.shrsi %max3A_342, %shift_right_arithmetic3A_344 : vector<16xi32>
          %max3A_346 = arith.constant 0 : i32
          %max3A_347 = vector.broadcast %max3A_346 : i32 to vector<16xi32>
          %max3A_348 = arith.maxsi %xor3A_304, %max3A_347 : vector<16xi32>
          %shift_right_arithmetic3A_349 = arith.constant 20 : i32
          %shift_right_arithmetic3A_350 = vector.broadcast %shift_right_arithmetic3A_349 : i32 to vector<16xi32>
          %shift_right_arithmetic3A_351 = arith.shrsi %max3A_348, %shift_right_arithmetic3A_350 : vector<16xi32>
          %max3A_352 = arith.constant 0 : i32
          %max3A_353 = vector.broadcast %max3A_352 : i32 to vector<16xi32>
          %max3A_354 = arith.maxsi %xor3A_309, %max3A_353 : vector<16xi32>
          %shift_right_arithmetic3A_355 = arith.constant 20 : i32
          %shift_right_arithmetic3A_356 = vector.broadcast %shift_right_arithmetic3A_355 : i32 to vector<16xi32>
          %shift_right_arithmetic3A_357 = arith.shrsi %max3A_354, %shift_right_arithmetic3A_356 : vector<16xi32>
          %add3A_358 = arith.addi %mul3A_168, %shift_right_arithmetic3A_315 : vector<16xi32>
          %gather3A_359 = tpu.vector_load_idx %arg20[%add3A_358] : memref<4096xi32, #tpu.memory_space<vmem>>[vector<16xi32>], vector<16xi32>,
          %add3A_360 = arith.addi %mul3A_168, %shift_right_arithmetic3A_321 : vector<16xi32>
          %gather3A_361 = tpu.vector_load_idx %arg20[%add3A_360] : memref<4096xi32, #tpu.memory_space<vmem>>[vector<16xi32>], vector<16xi32>,
          %add3A_362 = arith.addi %mul3A_168, %shift_right_arithmetic3A_327 : vector<16xi32>
          %gather3A_363 = tpu.vector_load_idx %arg20[%add3A_362] : memref<4096xi32, #tpu.memory_space<vmem>>[vector<16xi32>], vector<16xi32>,
          %add3A_364 = arith.addi %mul3A_168, %shift_right_arithmetic3A_333 : vector<16xi32>
          %gather3A_365 = tpu.vector_load_idx %arg20[%add3A_364] : memref<4096xi32, #tpu.memory_space<vmem>>[vector<16xi32>], vector<16xi32>,
          %add3A_366 = arith.addi %mul3A_171, %shift_right_arithmetic3A_339 : vector<16xi32>
          %gather3A_367 = tpu.vector_load_idx %arg20[%add3A_366] : memref<4096xi32, #tpu.memory_space<vmem>>[vector<16xi32>], vector<16xi32>,
          %add3A_368 = arith.addi %mul3A_171, %shift_right_arithmetic3A_345 : vector<16xi32>
          %gather3A_369 = tpu.vector_load_idx %arg20[%add3A_368] : memref<4096xi32, #tpu.memory_space<vmem>>[vector<16xi32>], vector<16xi32>,
          %add3A_370 = arith.addi %mul3A_171, %shift_right_arithmetic3A_351 : vector<16xi32>
          %gather3A_371 = tpu.vector_load_idx %arg20[%add3A_370] : memref<4096xi32, #tpu.memory_space<vmem>>[vector<16xi32>], vector<16xi32>,
          %add3A_372 = arith.addi %mul3A_171, %shift_right_arithmetic3A_357 : vector<16xi32>
          %gather3A_373 = tpu.vector_load_idx %arg20[%add3A_372] : memref<4096xi32, #tpu.memory_space<vmem>>[vector<16xi32>], vector<16xi32>,
          %add3A_374 = arith.addi %mul3A_162, %gather3A_359 : vector<16xi32>
          %gather3A_375 = tpu.vector_load_idx %arg10[%add3A_374] : memref<1024xi32, #tpu.memory_space<vmem>>[vector<16xi32>], vector<16xi32>,
          %add3A_376 = arith.addi %mul3A_162, %gather3A_361 : vector<16xi32>
          %gather3A_377 = tpu.vector_load_idx %arg10[%add3A_376] : memref<1024xi32, #tpu.memory_space<vmem>>[vector<16xi32>], vector<16xi32>,
          %add3A_378 = arith.addi %mul3A_162, %gather3A_363 : vector<16xi32>
          %gather3A_379 = tpu.vector_load_idx %arg10[%add3A_378] : memref<1024xi32, #tpu.memory_space<vmem>>[vector<16xi32>], vector<16xi32>,
          %add3A_380 = arith.addi %mul3A_162, %gather3A_365 : vector<16xi32>
          %gather3A_381 = tpu.vector_load_idx %arg10[%add3A_380] : memref<1024xi32, #tpu.memory_space<vmem>>[vector<16xi32>], vector<16xi32>,
          %add3A_382 = arith.addi %mul3A_165, %gather3A_367 : vector<16xi32>
          %gather3A_383 = tpu.vector_load_idx %arg10[%add3A_382] : memref<1024xi32, #tpu.memory_space<vmem>>[vector<16xi32>], vector<16xi32>,
          %add3A_384 = arith.addi %mul3A_165, %gather3A_369 : vector<16xi32>
          %gather3A_385 = tpu.vector_load_idx %arg10[%add3A_384] : memref<1024xi32, #tpu.memory_space<vmem>>[vector<16xi32>], vector<16xi32>,
          %add3A_386 = arith.addi %mul3A_165, %gather3A_371 : vector<16xi32>
          %gather3A_387 = tpu.vector_load_idx %arg10[%add3A_386] : memref<1024xi32, #tpu.memory_space<vmem>>[vector<16xi32>], vector<16xi32>,
          %add3A_388 = arith.addi %mul3A_165, %gather3A_373 : vector<16xi32>
          %gather3A_389 = tpu.vector_load_idx %arg10[%add3A_388] : memref<1024xi32, #tpu.memory_space<vmem>>[vector<16xi32>], vector<16xi32>,
          %lt3A_390 = arith.cmpi slt, %gather3A_375, %xor3A : vector<16xi32>
          %lt3A_391 = arith.cmpi slt, %gather3A_377, %xor3A_263 : vector<16xi32>
          %lt3A_392 = arith.cmpi slt, %gather3A_379, %xor3A_268 : vector<16xi32>
          %lt3A_393 = arith.cmpi slt, %gather3A_381, %xor3A_273 : vector<16xi32>
          %lt3A_394 = arith.cmpi slt, %gather3A_383, %xor3A_294 : vector<16xi32>
          %lt3A_395 = arith.cmpi slt, %gather3A_385, %xor3A_299 : vector<16xi32>
          %lt3A_396 = arith.cmpi slt, %gather3A_387, %xor3A_304 : vector<16xi32>
          %lt3A_397 = arith.cmpi slt, %gather3A_389, %xor3A_309 : vector<16xi32>
          %or3A = arith.ori %lt3A_390, %lt3A_391 : vector<16xi1>
          %or3A_398 = arith.ori %or3A, %lt3A_392 : vector<16xi1>
          %or3A_399 = arith.ori %or3A_398, %lt3A_393 : vector<16xi1>
          %or3A_400 = arith.ori %or3A_399, %lt3A_394 : vector<16xi1>
          %or3A_401 = arith.ori %or3A_400, %lt3A_395 : vector<16xi1>
          %or3A_402 = arith.ori %or3A_401, %lt3A_396 : vector<16xi1>
          %or3A_403 = arith.ori %or3A_402, %lt3A_397 : vector<16xi1>
          %convert_element_type3A_404 = arith.extui %lt3A_390 : vector<16xi1> to vector<16xi32>
          %add3A_405 = arith.addi %gather3A_359, %convert_element_type3A_404 : vector<16xi32>
          %convert_element_type3A_406 = arith.extui %lt3A_391 : vector<16xi1> to vector<16xi32>
          %add3A_407 = arith.addi %gather3A_361, %convert_element_type3A_406 : vector<16xi32>
          %convert_element_type3A_408 = arith.extui %lt3A_392 : vector<16xi1> to vector<16xi32>
          %add3A_409 = arith.addi %gather3A_363, %convert_element_type3A_408 : vector<16xi32>
          %convert_element_type3A_410 = arith.extui %lt3A_393 : vector<16xi1> to vector<16xi32>
          %add3A_411 = arith.addi %gather3A_365, %convert_element_type3A_410 : vector<16xi32>
          %convert_element_type3A_412 = arith.extui %lt3A_394 : vector<16xi1> to vector<16xi32>
          %add3A_413 = arith.addi %gather3A_367, %convert_element_type3A_412 : vector<16xi32>
          %convert_element_type3A_414 = arith.extui %lt3A_395 : vector<16xi1> to vector<16xi32>
          %add3A_415 = arith.addi %gather3A_369, %convert_element_type3A_414 : vector<16xi32>
          %convert_element_type3A_416 = arith.extui %lt3A_396 : vector<16xi1> to vector<16xi32>
          %add3A_417 = arith.addi %gather3A_371, %convert_element_type3A_416 : vector<16xi32>
          %convert_element_type3A_418 = arith.extui %lt3A_397 : vector<16xi1> to vector<16xi32>
          %add3A_419 = arith.addi %gather3A_373, %convert_element_type3A_418 : vector<16xi32>
          %reduce_or3A = arith.constant 1.000000e+00 : f32
          %reduce_or3A_420 = arith.constant 0.000000e+00 : f32
          %reduce_or3A_421 = vector.broadcast %reduce_or3A : f32 to vector<16xf32>
          %reduce_or3A_422 = vector.broadcast %reduce_or3A_420 : f32 to vector<16xf32>
          %reduce_or3A_423 = arith.select %or3A_403, %reduce_or3A_421, %reduce_or3A_422 : vector<16xi1>, vector<16xf32>
          %reduce_or3A_424 = arith.constant true
          %reduce_or3A_425 = vector.broadcast %reduce_or3A_424 : i1 to vector<16xi1>
          %reduce_or3A_426 = tpu.scan <max>, %reduce_or3A_423 masked %reduce_or3A_425 : vector<16xf32>, vector<16xi1> -> vector<16xf32>
          %reduce_or3A_427 = vector.extract %reduce_or3A_426[15] : f32 from vector<16xf32>
          %reduce_or3A_428 = arith.constant 0.000000e+00 : f32
          %reduce_or3A_429 = arith.cmpf ogt, %reduce_or3A_427, %reduce_or3A_428 : f32
          %add3A_430 = arith.addi %mul3A_162, %add3A_405 : vector<16xi32>
          %gather3A_431 = tpu.vector_load_idx %arg10[%add3A_430] : memref<1024xi32, #tpu.memory_space<vmem>>[vector<16xi32>], vector<16xi32>,
          %add3A_432 = arith.addi %mul3A_162, %add3A_407 : vector<16xi32>
          %gather3A_433 = tpu.vector_load_idx %arg10[%add3A_432] : memref<1024xi32, #tpu.memory_space<vmem>>[vector<16xi32>], vector<16xi32>,
          %add3A_434 = arith.addi %mul3A_162, %add3A_409 : vector<16xi32>
          %gather3A_435 = tpu.vector_load_idx %arg10[%add3A_434] : memref<1024xi32, #tpu.memory_space<vmem>>[vector<16xi32>], vector<16xi32>,
          %add3A_436 = arith.addi %mul3A_162, %add3A_411 : vector<16xi32>
          %gather3A_437 = tpu.vector_load_idx %arg10[%add3A_436] : memref<1024xi32, #tpu.memory_space<vmem>>[vector<16xi32>], vector<16xi32>,
          %add3A_438 = arith.addi %mul3A_165, %add3A_413 : vector<16xi32>
          %gather3A_439 = tpu.vector_load_idx %arg10[%add3A_438] : memref<1024xi32, #tpu.memory_space<vmem>>[vector<16xi32>], vector<16xi32>,
          %add3A_440 = arith.addi %mul3A_165, %add3A_415 : vector<16xi32>
          %gather3A_441 = tpu.vector_load_idx %arg10[%add3A_440] : memref<1024xi32, #tpu.memory_space<vmem>>[vector<16xi32>], vector<16xi32>,
          %add3A_442 = arith.addi %mul3A_165, %add3A_417 : vector<16xi32>
          %gather3A_443 = tpu.vector_load_idx %arg10[%add3A_442] : memref<1024xi32, #tpu.memory_space<vmem>>[vector<16xi32>], vector<16xi32>,
          %add3A_444 = arith.addi %mul3A_165, %add3A_419 : vector<16xi32>
          %gather3A_445 = tpu.vector_load_idx %arg10[%add3A_444] : memref<1024xi32, #tpu.memory_space<vmem>>[vector<16xi32>], vector<16xi32>,
          %lt3A_446 = arith.cmpi slt, %gather3A_431, %xor3A : vector<16xi32>
          %lt3A_447 = arith.cmpi slt, %gather3A_433, %xor3A_263 : vector<16xi32>
          %lt3A_448 = arith.cmpi slt, %gather3A_435, %xor3A_268 : vector<16xi32>
          %lt3A_449 = arith.cmpi slt, %gather3A_437, %xor3A_273 : vector<16xi32>
          %lt3A_450 = arith.cmpi slt, %gather3A_439, %xor3A_294 : vector<16xi32>
          %lt3A_451 = arith.cmpi slt, %gather3A_441, %xor3A_299 : vector<16xi32>
          %lt3A_452 = arith.cmpi slt, %gather3A_443, %xor3A_304 : vector<16xi32>
          %lt3A_453 = arith.cmpi slt, %gather3A_445, %xor3A_309 : vector<16xi32>
          %or3A_454 = arith.ori %lt3A_446, %lt3A_447 : vector<16xi1>
          %or3A_455 = arith.ori %or3A_454, %lt3A_448 : vector<16xi1>
          %or3A_456 = arith.ori %or3A_455, %lt3A_449 : vector<16xi1>
          %or3A_457 = arith.ori %or3A_456, %lt3A_450 : vector<16xi1>
          %or3A_458 = arith.ori %or3A_457, %lt3A_451 : vector<16xi1>
          %or3A_459 = arith.ori %or3A_458, %lt3A_452 : vector<16xi1>
          %or3A_460 = arith.ori %or3A_459, %lt3A_453 : vector<16xi1>
          %convert_element_type3A_461 = arith.extui %lt3A_446 : vector<16xi1> to vector<16xi32>
          %add3A_462 = arith.addi %add3A_405, %convert_element_type3A_461 : vector<16xi32>
          %convert_element_type3A_463 = arith.extui %lt3A_447 : vector<16xi1> to vector<16xi32>
          %add3A_464 = arith.addi %add3A_407, %convert_element_type3A_463 : vector<16xi32>
          %convert_element_type3A_465 = arith.extui %lt3A_448 : vector<16xi1> to vector<16xi32>
          %add3A_466 = arith.addi %add3A_409, %convert_element_type3A_465 : vector<16xi32>
          %convert_element_type3A_467 = arith.extui %lt3A_449 : vector<16xi1> to vector<16xi32>
          %add3A_468 = arith.addi %add3A_411, %convert_element_type3A_467 : vector<16xi32>
          %convert_element_type3A_469 = arith.extui %lt3A_450 : vector<16xi1> to vector<16xi32>
          %add3A_470 = arith.addi %add3A_413, %convert_element_type3A_469 : vector<16xi32>
          %convert_element_type3A_471 = arith.extui %lt3A_451 : vector<16xi1> to vector<16xi32>
          %add3A_472 = arith.addi %add3A_415, %convert_element_type3A_471 : vector<16xi32>
          %convert_element_type3A_473 = arith.extui %lt3A_452 : vector<16xi1> to vector<16xi32>
          %add3A_474 = arith.addi %add3A_417, %convert_element_type3A_473 : vector<16xi32>
          %convert_element_type3A_475 = arith.extui %lt3A_453 : vector<16xi1> to vector<16xi32>
          %add3A_476 = arith.addi %add3A_419, %convert_element_type3A_475 : vector<16xi32>
          %reduce_or3A_477 = arith.constant 1.000000e+00 : f32
          %reduce_or3A_478 = arith.constant 0.000000e+00 : f32
          %reduce_or3A_479 = vector.broadcast %reduce_or3A_477 : f32 to vector<16xf32>
          %reduce_or3A_480 = vector.broadcast %reduce_or3A_478 : f32 to vector<16xf32>
          %reduce_or3A_481 = arith.select %or3A_460, %reduce_or3A_479, %reduce_or3A_480 : vector<16xi1>, vector<16xf32>
          %reduce_or3A_482 = arith.constant true
          %reduce_or3A_483 = vector.broadcast %reduce_or3A_482 : i1 to vector<16xi1>
          %reduce_or3A_484 = tpu.scan <max>, %reduce_or3A_481 masked %reduce_or3A_483 : vector<16xf32>, vector<16xi1> -> vector<16xf32>
          %reduce_or3A_485 = vector.extract %reduce_or3A_484[15] : f32 from vector<16xf32>
          %reduce_or3A_486 = arith.constant 0.000000e+00 : f32
          %reduce_or3A_487 = arith.cmpf ogt, %reduce_or3A_485, %reduce_or3A_486 : f32
          %add3A_488 = arith.addi %mul3A_162, %add3A_462 : vector<16xi32>
          %gather3A_489 = tpu.vector_load_idx %arg10[%add3A_488] : memref<1024xi32, #tpu.memory_space<vmem>>[vector<16xi32>], vector<16xi32>,
          %add3A_490 = arith.addi %mul3A_162, %add3A_464 : vector<16xi32>
          %gather3A_491 = tpu.vector_load_idx %arg10[%add3A_490] : memref<1024xi32, #tpu.memory_space<vmem>>[vector<16xi32>], vector<16xi32>,
          %add3A_492 = arith.addi %mul3A_162, %add3A_466 : vector<16xi32>
          %gather3A_493 = tpu.vector_load_idx %arg10[%add3A_492] : memref<1024xi32, #tpu.memory_space<vmem>>[vector<16xi32>], vector<16xi32>,
          %add3A_494 = arith.addi %mul3A_162, %add3A_468 : vector<16xi32>
          %gather3A_495 = tpu.vector_load_idx %arg10[%add3A_494] : memref<1024xi32, #tpu.memory_space<vmem>>[vector<16xi32>], vector<16xi32>,
          %add3A_496 = arith.addi %mul3A_165, %add3A_470 : vector<16xi32>
          %gather3A_497 = tpu.vector_load_idx %arg10[%add3A_496] : memref<1024xi32, #tpu.memory_space<vmem>>[vector<16xi32>], vector<16xi32>,
          %add3A_498 = arith.addi %mul3A_165, %add3A_472 : vector<16xi32>
          %gather3A_499 = tpu.vector_load_idx %arg10[%add3A_498] : memref<1024xi32, #tpu.memory_space<vmem>>[vector<16xi32>], vector<16xi32>,
          %add3A_500 = arith.addi %mul3A_165, %add3A_474 : vector<16xi32>
          %gather3A_501 = tpu.vector_load_idx %arg10[%add3A_500] : memref<1024xi32, #tpu.memory_space<vmem>>[vector<16xi32>], vector<16xi32>,
          %add3A_502 = arith.addi %mul3A_165, %add3A_476 : vector<16xi32>
          %gather3A_503 = tpu.vector_load_idx %arg10[%add3A_502] : memref<1024xi32, #tpu.memory_space<vmem>>[vector<16xi32>], vector<16xi32>,
          %lt3A_504 = arith.cmpi slt, %gather3A_489, %xor3A : vector<16xi32>
          %lt3A_505 = arith.cmpi slt, %gather3A_491, %xor3A_263 : vector<16xi32>
          %lt3A_506 = arith.cmpi slt, %gather3A_493, %xor3A_268 : vector<16xi32>
          %lt3A_507 = arith.cmpi slt, %gather3A_495, %xor3A_273 : vector<16xi32>
          %lt3A_508 = arith.cmpi slt, %gather3A_497, %xor3A_294 : vector<16xi32>
          %lt3A_509 = arith.cmpi slt, %gather3A_499, %xor3A_299 : vector<16xi32>
          %lt3A_510 = arith.cmpi slt, %gather3A_501, %xor3A_304 : vector<16xi32>
          %lt3A_511 = arith.cmpi slt, %gather3A_503, %xor3A_309 : vector<16xi32>
          %or3A_512 = arith.ori %lt3A_504, %lt3A_505 : vector<16xi1>
          %or3A_513 = arith.ori %or3A_512, %lt3A_506 : vector<16xi1>
          %or3A_514 = arith.ori %or3A_513, %lt3A_507 : vector<16xi1>
          %or3A_515 = arith.ori %or3A_514, %lt3A_508 : vector<16xi1>
          %or3A_516 = arith.ori %or3A_515, %lt3A_509 : vector<16xi1>
          %or3A_517 = arith.ori %or3A_516, %lt3A_510 : vector<16xi1>
          %or3A_518 = arith.ori %or3A_517, %lt3A_511 : vector<16xi1>
          %convert_element_type3A_519 = arith.extui %lt3A_504 : vector<16xi1> to vector<16xi32>
          %add3A_520 = arith.addi %add3A_462, %convert_element_type3A_519 : vector<16xi32>
          %convert_element_type3A_521 = arith.extui %lt3A_505 : vector<16xi1> to vector<16xi32>
          %add3A_522 = arith.addi %add3A_464, %convert_element_type3A_521 : vector<16xi32>
          %convert_element_type3A_523 = arith.extui %lt3A_506 : vector<16xi1> to vector<16xi32>
          %add3A_524 = arith.addi %add3A_466, %convert_element_type3A_523 : vector<16xi32>
          %convert_element_type3A_525 = arith.extui %lt3A_507 : vector<16xi1> to vector<16xi32>
          %add3A_526 = arith.addi %add3A_468, %convert_element_type3A_525 : vector<16xi32>
          %convert_element_type3A_527 = arith.extui %lt3A_508 : vector<16xi1> to vector<16xi32>
          %add3A_528 = arith.addi %add3A_470, %convert_element_type3A_527 : vector<16xi32>
          %convert_element_type3A_529 = arith.extui %lt3A_509 : vector<16xi1> to vector<16xi32>
          %add3A_530 = arith.addi %add3A_472, %convert_element_type3A_529 : vector<16xi32>
          %convert_element_type3A_531 = arith.extui %lt3A_510 : vector<16xi1> to vector<16xi32>
          %add3A_532 = arith.addi %add3A_474, %convert_element_type3A_531 : vector<16xi32>
          %convert_element_type3A_533 = arith.extui %lt3A_511 : vector<16xi1> to vector<16xi32>
          %add3A_534 = arith.addi %add3A_476, %convert_element_type3A_533 : vector<16xi32>
          %reduce_or3A_535 = arith.constant 1.000000e+00 : f32
          %reduce_or3A_536 = arith.constant 0.000000e+00 : f32
          %reduce_or3A_537 = vector.broadcast %reduce_or3A_535 : f32 to vector<16xf32>
          %reduce_or3A_538 = vector.broadcast %reduce_or3A_536 : f32 to vector<16xf32>
          %reduce_or3A_539 = arith.select %or3A_518, %reduce_or3A_537, %reduce_or3A_538 : vector<16xi1>, vector<16xf32>
          %reduce_or3A_540 = arith.constant true
          %reduce_or3A_541 = vector.broadcast %reduce_or3A_540 : i1 to vector<16xi1>
          %reduce_or3A_542 = tpu.scan <max>, %reduce_or3A_539 masked %reduce_or3A_541 : vector<16xf32>, vector<16xi1> -> vector<16xf32>
          %reduce_or3A_543 = vector.extract %reduce_or3A_542[15] : f32 from vector<16xf32>
          %reduce_or3A_544 = arith.constant 0.000000e+00 : f32
          %reduce_or3A_545 = arith.cmpf ogt, %reduce_or3A_543, %reduce_or3A_544 : f32
          %while3A_546:17 = scf.while (%while3A_562 = %add3A_520, %while3A_563 = %add3A_522, %while3A_564 = %add3A_524, %while3A_565 = %add3A_526, %while3A_566 = %add3A_528, %while3A_567 = %add3A_530, %while3A_568 = %add3A_532, %while3A_569 = %add3A_534, %while3A_570 = %gather3A_489, %while3A_571 = %gather3A_491, %while3A_572 = %gather3A_493, %while3A_573 = %gather3A_495, %while3A_574 = %gather3A_497, %while3A_575 = %gather3A_499, %while3A_576 = %gather3A_501, %while3A_577 = %gather3A_503, %while3A_578 = %reduce_or3A_545) : (vector<16xi32>, vector<16xi32>, vector<16xi32>, vector<16xi32>, vector<16xi32>, vector<16xi32>, vector<16xi32>, vector<16xi32>, vector<16xi32>, vector<16xi32>, vector<16xi32>, vector<16xi32>, vector<16xi32>, vector<16xi32>, vector<16xi32>, vector<16xi32>, i1) -> (vector<16xi32>, vector<16xi32>, vector<16xi32>, vector<16xi32>, vector<16xi32>, vector<16xi32>, vector<16xi32>, vector<16xi32>, vector<16xi32>, vector<16xi32>, vector<16xi32>, vector<16xi32>, vector<16xi32>, vector<16xi32>, vector<16xi32>, vector<16xi32>, i1) {
            scf.condition(%while3A_578) %while3A_562, %while3A_563, %while3A_564, %while3A_565, %while3A_566, %while3A_567, %while3A_568, %while3A_569, %while3A_570, %while3A_571, %while3A_572, %while3A_573, %while3A_574, %while3A_575, %while3A_576, %while3A_577, %while3A_578 : vector<16xi32>, vector<16xi32>, vector<16xi32>, vector<16xi32>, vector<16xi32>, vector<16xi32>, vector<16xi32>, vector<16xi32>, vector<16xi32>, vector<16xi32>, vector<16xi32>, vector<16xi32>, vector<16xi32>, vector<16xi32>, vector<16xi32>, vector<16xi32>, i1
          } do {
          ^bb0(%while3A_562: vector<16xi32>, %while3A_563: vector<16xi32>, %while3A_564: vector<16xi32>, %while3A_565: vector<16xi32>, %while3A_566: vector<16xi32>, %while3A_567: vector<16xi32>, %while3A_568: vector<16xi32>, %while3A_569: vector<16xi32>, %while3A_570: vector<16xi32>, %while3A_571: vector<16xi32>, %while3A_572: vector<16xi32>, %while3A_573: vector<16xi32>, %while3A_574: vector<16xi32>, %while3A_575: vector<16xi32>, %while3A_576: vector<16xi32>, %while3A_577: vector<16xi32>, %while3A_578: i1):
            %add3A_579 = arith.addi %mul3A_162, %while3A_562 : vector<16xi32>
            %gather3A_580 = tpu.vector_load_idx %arg10[%add3A_579] : memref<1024xi32, #tpu.memory_space<vmem>>[vector<16xi32>], vector<16xi32>,
            %add3A_581 = arith.addi %mul3A_162, %while3A_563 : vector<16xi32>
            %gather3A_582 = tpu.vector_load_idx %arg10[%add3A_581] : memref<1024xi32, #tpu.memory_space<vmem>>[vector<16xi32>], vector<16xi32>,
            %add3A_583 = arith.addi %mul3A_162, %while3A_564 : vector<16xi32>
            %gather3A_584 = tpu.vector_load_idx %arg10[%add3A_583] : memref<1024xi32, #tpu.memory_space<vmem>>[vector<16xi32>], vector<16xi32>,
            %add3A_585 = arith.addi %mul3A_162, %while3A_565 : vector<16xi32>
            %gather3A_586 = tpu.vector_load_idx %arg10[%add3A_585] : memref<1024xi32, #tpu.memory_space<vmem>>[vector<16xi32>], vector<16xi32>,
            %add3A_587 = arith.addi %mul3A_165, %while3A_566 : vector<16xi32>
            %gather3A_588 = tpu.vector_load_idx %arg10[%add3A_587] : memref<1024xi32, #tpu.memory_space<vmem>>[vector<16xi32>], vector<16xi32>,
            %add3A_589 = arith.addi %mul3A_165, %while3A_567 : vector<16xi32>
            %gather3A_590 = tpu.vector_load_idx %arg10[%add3A_589] : memref<1024xi32, #tpu.memory_space<vmem>>[vector<16xi32>], vector<16xi32>,
            %add3A_591 = arith.addi %mul3A_165, %while3A_568 : vector<16xi32>
            %gather3A_592 = tpu.vector_load_idx %arg10[%add3A_591] : memref<1024xi32, #tpu.memory_space<vmem>>[vector<16xi32>], vector<16xi32>,
            %add3A_593 = arith.addi %mul3A_165, %while3A_569 : vector<16xi32>
            %gather3A_594 = tpu.vector_load_idx %arg10[%add3A_593] : memref<1024xi32, #tpu.memory_space<vmem>>[vector<16xi32>], vector<16xi32>,
            %lt3A_595 = arith.cmpi slt, %gather3A_580, %xor3A : vector<16xi32>
            %lt3A_596 = arith.cmpi slt, %gather3A_582, %xor3A_263 : vector<16xi32>
            %lt3A_597 = arith.cmpi slt, %gather3A_584, %xor3A_268 : vector<16xi32>
            %lt3A_598 = arith.cmpi slt, %gather3A_586, %xor3A_273 : vector<16xi32>
            %lt3A_599 = arith.cmpi slt, %gather3A_588, %xor3A_294 : vector<16xi32>
            %lt3A_600 = arith.cmpi slt, %gather3A_590, %xor3A_299 : vector<16xi32>
            %lt3A_601 = arith.cmpi slt, %gather3A_592, %xor3A_304 : vector<16xi32>
            %lt3A_602 = arith.cmpi slt, %gather3A_594, %xor3A_309 : vector<16xi32>
            %or3A_603 = arith.ori %lt3A_595, %lt3A_596 : vector<16xi1>
            %or3A_604 = arith.ori %or3A_603, %lt3A_597 : vector<16xi1>
            %or3A_605 = arith.ori %or3A_604, %lt3A_598 : vector<16xi1>
            %or3A_606 = arith.ori %or3A_605, %lt3A_599 : vector<16xi1>
            %or3A_607 = arith.ori %or3A_606, %lt3A_600 : vector<16xi1>
            %or3A_608 = arith.ori %or3A_607, %lt3A_601 : vector<16xi1>
            %or3A_609 = arith.ori %or3A_608, %lt3A_602 : vector<16xi1>
            %convert_element_type3A_610 = arith.extui %lt3A_595 : vector<16xi1> to vector<16xi32>
            %add3A_611 = arith.addi %while3A_562, %convert_element_type3A_610 : vector<16xi32>
            %convert_element_type3A_612 = arith.extui %lt3A_596 : vector<16xi1> to vector<16xi32>
            %add3A_613 = arith.addi %while3A_563, %convert_element_type3A_612 : vector<16xi32>
            %convert_element_type3A_614 = arith.extui %lt3A_597 : vector<16xi1> to vector<16xi32>
            %add3A_615 = arith.addi %while3A_564, %convert_element_type3A_614 : vector<16xi32>
            %convert_element_type3A_616 = arith.extui %lt3A_598 : vector<16xi1> to vector<16xi32>
            %add3A_617 = arith.addi %while3A_565, %convert_element_type3A_616 : vector<16xi32>
            %convert_element_type3A_618 = arith.extui %lt3A_599 : vector<16xi1> to vector<16xi32>
            %add3A_619 = arith.addi %while3A_566, %convert_element_type3A_618 : vector<16xi32>
            %convert_element_type3A_620 = arith.extui %lt3A_600 : vector<16xi1> to vector<16xi32>
            %add3A_621 = arith.addi %while3A_567, %convert_element_type3A_620 : vector<16xi32>
            %convert_element_type3A_622 = arith.extui %lt3A_601 : vector<16xi1> to vector<16xi32>
            %add3A_623 = arith.addi %while3A_568, %convert_element_type3A_622 : vector<16xi32>
            %convert_element_type3A_624 = arith.extui %lt3A_602 : vector<16xi1> to vector<16xi32>
            %add3A_625 = arith.addi %while3A_569, %convert_element_type3A_624 : vector<16xi32>
            %reduce_or3A_626 = arith.constant 1.000000e+00 : f32
            %reduce_or3A_627 = arith.constant 0.000000e+00 : f32
            %reduce_or3A_628 = vector.broadcast %reduce_or3A_626 : f32 to vector<16xf32>
            %reduce_or3A_629 = vector.broadcast %reduce_or3A_627 : f32 to vector<16xf32>
            %reduce_or3A_630 = arith.select %or3A_609, %reduce_or3A_628, %reduce_or3A_629 : vector<16xi1>, vector<16xf32>
            %reduce_or3A_631 = arith.constant true
            %reduce_or3A_632 = vector.broadcast %reduce_or3A_631 : i1 to vector<16xi1>
            %reduce_or3A_633 = tpu.scan <max>, %reduce_or3A_630 masked %reduce_or3A_632 : vector<16xf32>, vector<16xi1> -> vector<16xf32>
            %reduce_or3A_634 = vector.extract %reduce_or3A_633[15] : f32 from vector<16xf32>
            %reduce_or3A_635 = arith.constant 0.000000e+00 : f32
            %reduce_or3A_636 = arith.cmpf ogt, %reduce_or3A_634, %reduce_or3A_635 : f32
            scf.yield %add3A_611, %add3A_613, %add3A_615, %add3A_617, %add3A_619, %add3A_621, %add3A_623, %add3A_625, %gather3A_580, %gather3A_582, %gather3A_584, %gather3A_586, %gather3A_588, %gather3A_590, %gather3A_592, %gather3A_594, %reduce_or3A_636 : vector<16xi32>, vector<16xi32>, vector<16xi32>, vector<16xi32>, vector<16xi32>, vector<16xi32>, vector<16xi32>, vector<16xi32>, vector<16xi32>, vector<16xi32>, vector<16xi32>, vector<16xi32>, vector<16xi32>, vector<16xi32>, vector<16xi32>, vector<16xi32>, i1
          }
          %add3A_547 = arith.addi %broadcast_in_dim3A_174, %while3A_546#0 : vector<16xi32>
          %eq3A = arith.cmpi eq, %while3A_546#8, %xor3A : vector<16xi32>
          tpu.vector_store_idx %arg19[%add3A_547], %broadcast_in_dim3A_150 masked %eq3A : memref<4096xi32, #tpu.memory_space<vmem>>[vector<16xi32>], vector<16xi32>, vector<16xi1>
          %add3A_548 = arith.addi %broadcast_in_dim3A_174, %while3A_546#1 : vector<16xi32>
          %eq3A_549 = arith.cmpi eq, %while3A_546#9, %xor3A_263 : vector<16xi32>
          tpu.vector_store_idx %arg19[%add3A_548], %broadcast_in_dim3A_150 masked %eq3A_549 : memref<4096xi32, #tpu.memory_space<vmem>>[vector<16xi32>], vector<16xi32>, vector<16xi1>
          %add3A_550 = arith.addi %broadcast_in_dim3A_174, %while3A_546#2 : vector<16xi32>
          %eq3A_551 = arith.cmpi eq, %while3A_546#10, %xor3A_268 : vector<16xi32>
          tpu.vector_store_idx %arg19[%add3A_550], %broadcast_in_dim3A_150 masked %eq3A_551 : memref<4096xi32, #tpu.memory_space<vmem>>[vector<16xi32>], vector<16xi32>, vector<16xi1>
          %add3A_552 = arith.addi %broadcast_in_dim3A_174, %while3A_546#3 : vector<16xi32>
          %eq3A_553 = arith.cmpi eq, %while3A_546#11, %xor3A_273 : vector<16xi32>
          tpu.vector_store_idx %arg19[%add3A_552], %broadcast_in_dim3A_150 masked %eq3A_553 : memref<4096xi32, #tpu.memory_space<vmem>>[vector<16xi32>], vector<16xi32>, vector<16xi1>
          %add3A_554 = arith.addi %broadcast_in_dim3A_177, %while3A_546#4 : vector<16xi32>
          %eq3A_555 = arith.cmpi eq, %while3A_546#12, %xor3A_294 : vector<16xi32>
          tpu.vector_store_idx %arg19[%add3A_554], %broadcast_in_dim3A_154 masked %eq3A_555 : memref<4096xi32, #tpu.memory_space<vmem>>[vector<16xi32>], vector<16xi32>, vector<16xi1>
          %add3A_556 = arith.addi %broadcast_in_dim3A_177, %while3A_546#5 : vector<16xi32>
          %eq3A_557 = arith.cmpi eq, %while3A_546#13, %xor3A_299 : vector<16xi32>
          tpu.vector_store_idx %arg19[%add3A_556], %broadcast_in_dim3A_154 masked %eq3A_557 : memref<4096xi32, #tpu.memory_space<vmem>>[vector<16xi32>], vector<16xi32>, vector<16xi1>
          %add3A_558 = arith.addi %broadcast_in_dim3A_177, %while3A_546#6 : vector<16xi32>
          %eq3A_559 = arith.cmpi eq, %while3A_546#14, %xor3A_304 : vector<16xi32>
          tpu.vector_store_idx %arg19[%add3A_558], %broadcast_in_dim3A_154 masked %eq3A_559 : memref<4096xi32, #tpu.memory_space<vmem>>[vector<16xi32>], vector<16xi32>, vector<16xi1>
          %add3A_560 = arith.addi %broadcast_in_dim3A_177, %while3A_546#7 : vector<16xi32>
          %eq3A_561 = arith.cmpi eq, %while3A_546#15, %xor3A_309 : vector<16xi32>
          tpu.vector_store_idx %arg19[%add3A_560], %broadcast_in_dim3A_154 masked %eq3A_561 : memref<4096xi32, #tpu.memory_space<vmem>>[vector<16xi32>], vector<16xi32>, vector<16xi1>
        }
        %mul3A_205 = arith.constant 384 : i32
        %mul3A_206 = vector.broadcast %mul3A_205 : i32 to vector<16xi32>
        %mul3A_207 = arith.muli %gather3A_158, %mul3A_206 : vector<16xi32>
        %mul3A_208 = arith.constant 384 : i32
        %mul3A_209 = vector.broadcast %mul3A_208 : i32 to vector<16xi32>
        %mul3A_210 = arith.muli %gather3A_159, %mul3A_209 : vector<16xi32>
        %scan3A_211 = arith.constant 0 : i32
        %scan3A_212 = arith.constant 0 : i32
        %scan3A_213 = arith.constant 6 : i32
        %scan3A_214 = arith.addi %scan3A_212, %scan3A_213 : i32
        %scan3A_215 = arith.constant 1 : i32
        scf.for %scan3A_217 = %scan3A_212 to %scan3A_214 step %scan3A_215  : i32 {
          %mul3A_218 = arith.constant 64 : i32
          %mul3A_219 = arith.muli %scan3A_217, %mul3A_218 : i32
          %add3A_220 = arith.constant 0 : i32
          %add3A_221 = arith.addi %mul3A_219, %add3A_220 : i32
          %add3A_222 = vector.broadcast %add3A_221 : i32 to vector<16xi32>
          %add3A_223 = arith.addi %add3A_222, %iota3A : vector<16xi32>
          %mul3A_224 = arith.constant 64 : i32
          %mul3A_225 = arith.muli %scan3A_217, %mul3A_224 : i32
          %add3A_226 = arith.constant 16 : i32
          %add3A_227 = arith.addi %mul3A_225, %add3A_226 : i32
          %add3A_228 = vector.broadcast %add3A_227 : i32 to vector<16xi32>
          %add3A_229 = arith.addi %add3A_228, %iota3A : vector<16xi32>
          %mul3A_230 = arith.constant 64 : i32
          %mul3A_231 = arith.muli %scan3A_217, %mul3A_230 : i32
          %add3A_232 = arith.constant 32 : i32
          %add3A_233 = arith.addi %mul3A_231, %add3A_232 : i32
          %add3A_234 = vector.broadcast %add3A_233 : i32 to vector<16xi32>
          %add3A_235 = arith.addi %add3A_234, %iota3A : vector<16xi32>
          %mul3A_236 = arith.constant 64 : i32
          %mul3A_237 = arith.muli %scan3A_217, %mul3A_236 : i32
          %add3A_238 = arith.constant 48 : i32
          %add3A_239 = arith.addi %mul3A_237, %add3A_238 : i32
          %add3A_240 = vector.broadcast %add3A_239 : i32 to vector<16xi32>
          %add3A_241 = arith.addi %add3A_240, %iota3A : vector<16xi32>
          %min3A = arith.constant 360 : i32
          %min3A_242 = vector.broadcast %min3A : i32 to vector<16xi32>
          %min3A_243 = arith.minsi %add3A_223, %min3A_242 : vector<16xi32>
          %min3A_244 = arith.constant 360 : i32
          %min3A_245 = vector.broadcast %min3A_244 : i32 to vector<16xi32>
          %min3A_246 = arith.minsi %add3A_229, %min3A_245 : vector<16xi32>
          %min3A_247 = arith.constant 360 : i32
          %min3A_248 = vector.broadcast %min3A_247 : i32 to vector<16xi32>
          %min3A_249 = arith.minsi %add3A_235, %min3A_248 : vector<16xi32>
          %min3A_250 = arith.constant 360 : i32
          %min3A_251 = vector.broadcast %min3A_250 : i32 to vector<16xi32>
          %min3A_252 = arith.minsi %add3A_241, %min3A_251 : vector<16xi32>
          %add3A_253 = arith.addi %mul3A_207, %min3A_243 : vector<16xi32>
          %gather3A_254 = tpu.vector_load_idx %arg12[%add3A_253] : memref<768xi32, #tpu.memory_space<vmem>>[vector<16xi32>], vector<16xi32>,
          %add3A_255 = arith.addi %mul3A_207, %min3A_246 : vector<16xi32>
          %gather3A_256 = tpu.vector_load_idx %arg12[%add3A_255] : memref<768xi32, #tpu.memory_space<vmem>>[vector<16xi32>], vector<16xi32>,
          %add3A_257 = arith.addi %mul3A_207, %min3A_249 : vector<16xi32>
          %gather3A_258 = tpu.vector_load_idx %arg12[%add3A_257] : memref<768xi32, #tpu.memory_space<vmem>>[vector<16xi32>], vector<16xi32>,
          %add3A_259 = arith.addi %mul3A_207, %min3A_252 : vector<16xi32>
          %gather3A_260 = tpu.vector_load_idx %arg12[%add3A_259] : memref<768xi32, #tpu.memory_space<vmem>>[vector<16xi32>], vector<16xi32>,
          %add3A_261 = arith.addi %broadcast_in_dim3A_174, %gather3A_254 : vector<16xi32>
          %gather3A_262 = tpu.vector_load_idx %arg19[%add3A_261] : memref<4096xi32, #tpu.memory_space<vmem>>[vector<16xi32>], vector<16xi32>,
          %add3A_263 = arith.addi %broadcast_in_dim3A_174, %gather3A_256 : vector<16xi32>
          %gather3A_264 = tpu.vector_load_idx %arg19[%add3A_263] : memref<4096xi32, #tpu.memory_space<vmem>>[vector<16xi32>], vector<16xi32>,
          %add3A_265 = arith.addi %broadcast_in_dim3A_174, %gather3A_258 : vector<16xi32>
          %gather3A_266 = tpu.vector_load_idx %arg19[%add3A_265] : memref<4096xi32, #tpu.memory_space<vmem>>[vector<16xi32>], vector<16xi32>,
          %add3A_267 = arith.addi %broadcast_in_dim3A_174, %gather3A_260 : vector<16xi32>
          %gather3A_268 = tpu.vector_load_idx %arg19[%add3A_267] : memref<4096xi32, #tpu.memory_space<vmem>>[vector<16xi32>], vector<16xi32>,
          %gather3A_269 = tpu.vector_load_idx %arg17[%broadcast_in_dim3A_144, %min3A_243] : memref<16x361xf32, #tpu.memory_space<vmem>>[vector<16xi32>, vector<16xi32>], vector<16xf32>,
          %gather3A_270 = tpu.vector_load_idx %arg17[%broadcast_in_dim3A_144, %min3A_246] : memref<16x361xf32, #tpu.memory_space<vmem>>[vector<16xi32>, vector<16xi32>], vector<16xf32>,
          %gather3A_271 = tpu.vector_load_idx %arg17[%broadcast_in_dim3A_144, %min3A_249] : memref<16x361xf32, #tpu.memory_space<vmem>>[vector<16xi32>, vector<16xi32>], vector<16xf32>,
          %gather3A_272 = tpu.vector_load_idx %arg17[%broadcast_in_dim3A_144, %min3A_252] : memref<16x361xf32, #tpu.memory_space<vmem>>[vector<16xi32>, vector<16xi32>], vector<16xf32>,
          %eq3A = arith.cmpi eq, %gather3A_262, %broadcast_in_dim3A_150 : vector<16xi32>
          %jit3A = arith.constant 0.000000e+00 : f32
          %broadcast_in_dim3A_273 = vector.broadcast %jit3A : f32 to vector<16xf32>
          %select_n3A = arith.select %eq3A, %broadcast_in_dim3A_273, %gather3A_269 : vector<16xi1>, vector<16xf32>
          %lt3A_274 = arith.constant 361 : i32
          %lt3A_275 = vector.broadcast %lt3A_274 : i32 to vector<16xi32>
          %lt3A_276 = arith.cmpi slt, %add3A_223, %lt3A_275 : vector<16xi32>
          tpu.vector_store_idx %arg18[%broadcast_in_dim3A_144, %min3A_243], %select_n3A masked %lt3A_276 : memref<16x361xf32, #tpu.memory_space<vmem>>[vector<16xi32>, vector<16xi32>], vector<16xf32>, vector<16xi1>
          %eq3A_277 = arith.cmpi eq, %gather3A_264, %broadcast_in_dim3A_150 : vector<16xi32>
          %jit3A_278 = arith.constant 0.000000e+00 : f32
          %broadcast_in_dim3A_279 = vector.broadcast %jit3A_278 : f32 to vector<16xf32>
          %select_n3A_280 = arith.select %eq3A_277, %broadcast_in_dim3A_279, %gather3A_270 : vector<16xi1>, vector<16xf32>
          %lt3A_281 = arith.constant 361 : i32
          %lt3A_282 = vector.broadcast %lt3A_281 : i32 to vector<16xi32>
          %lt3A_283 = arith.cmpi slt, %add3A_229, %lt3A_282 : vector<16xi32>
          tpu.vector_store_idx %arg18[%broadcast_in_dim3A_144, %min3A_246], %select_n3A_280 masked %lt3A_283 : memref<16x361xf32, #tpu.memory_space<vmem>>[vector<16xi32>, vector<16xi32>], vector<16xf32>, vector<16xi1>
          %eq3A_284 = arith.cmpi eq, %gather3A_266, %broadcast_in_dim3A_150 : vector<16xi32>
          %jit3A_285 = arith.constant 0.000000e+00 : f32
          %broadcast_in_dim3A_286 = vector.broadcast %jit3A_285 : f32 to vector<16xf32>
          %select_n3A_287 = arith.select %eq3A_284, %broadcast_in_dim3A_286, %gather3A_271 : vector<16xi1>, vector<16xf32>
          %lt3A_288 = arith.constant 361 : i32
          %lt3A_289 = vector.broadcast %lt3A_288 : i32 to vector<16xi32>
          %lt3A_290 = arith.cmpi slt, %add3A_235, %lt3A_289 : vector<16xi32>
          tpu.vector_store_idx %arg18[%broadcast_in_dim3A_144, %min3A_249], %select_n3A_287 masked %lt3A_290 : memref<16x361xf32, #tpu.memory_space<vmem>>[vector<16xi32>, vector<16xi32>], vector<16xf32>, vector<16xi1>
          %eq3A_291 = arith.cmpi eq, %gather3A_268, %broadcast_in_dim3A_150 : vector<16xi32>
          %jit3A_292 = arith.constant 0.000000e+00 : f32
          %broadcast_in_dim3A_293 = vector.broadcast %jit3A_292 : f32 to vector<16xf32>
          %select_n3A_294 = arith.select %eq3A_291, %broadcast_in_dim3A_293, %gather3A_272 : vector<16xi1>, vector<16xf32>
          %lt3A_295 = arith.constant 361 : i32
          %lt3A_296 = vector.broadcast %lt3A_295 : i32 to vector<16xi32>
          %lt3A_297 = arith.cmpi slt, %add3A_241, %lt3A_296 : vector<16xi32>
          tpu.vector_store_idx %arg18[%broadcast_in_dim3A_144, %min3A_252], %select_n3A_294 masked %lt3A_297 : memref<16x361xf32, #tpu.memory_space<vmem>>[vector<16xi32>, vector<16xi32>], vector<16xf32>, vector<16xi1>
          %add3A_298 = arith.addi %mul3A_210, %min3A_243 : vector<16xi32>
          %gather3A_299 = tpu.vector_load_idx %arg12[%add3A_298] : memref<768xi32, #tpu.memory_space<vmem>>[vector<16xi32>], vector<16xi32>,
          %add3A_300 = arith.addi %mul3A_210, %min3A_246 : vector<16xi32>
          %gather3A_301 = tpu.vector_load_idx %arg12[%add3A_300] : memref<768xi32, #tpu.memory_space<vmem>>[vector<16xi32>], vector<16xi32>,
          %add3A_302 = arith.addi %mul3A_210, %min3A_249 : vector<16xi32>
          %gather3A_303 = tpu.vector_load_idx %arg12[%add3A_302] : memref<768xi32, #tpu.memory_space<vmem>>[vector<16xi32>], vector<16xi32>,
          %add3A_304 = arith.addi %mul3A_210, %min3A_252 : vector<16xi32>
          %gather3A_305 = tpu.vector_load_idx %arg12[%add3A_304] : memref<768xi32, #tpu.memory_space<vmem>>[vector<16xi32>], vector<16xi32>,
          %add3A_306 = arith.addi %broadcast_in_dim3A_177, %gather3A_299 : vector<16xi32>
          %gather3A_307 = tpu.vector_load_idx %arg19[%add3A_306] : memref<4096xi32, #tpu.memory_space<vmem>>[vector<16xi32>], vector<16xi32>,
          %add3A_308 = arith.addi %broadcast_in_dim3A_177, %gather3A_301 : vector<16xi32>
          %gather3A_309 = tpu.vector_load_idx %arg19[%add3A_308] : memref<4096xi32, #tpu.memory_space<vmem>>[vector<16xi32>], vector<16xi32>,
          %add3A_310 = arith.addi %broadcast_in_dim3A_177, %gather3A_303 : vector<16xi32>
          %gather3A_311 = tpu.vector_load_idx %arg19[%add3A_310] : memref<4096xi32, #tpu.memory_space<vmem>>[vector<16xi32>], vector<16xi32>,
          %add3A_312 = arith.addi %broadcast_in_dim3A_177, %gather3A_305 : vector<16xi32>
          %gather3A_313 = tpu.vector_load_idx %arg19[%add3A_312] : memref<4096xi32, #tpu.memory_space<vmem>>[vector<16xi32>], vector<16xi32>,
          %gather3A_314 = tpu.vector_load_idx %arg17[%broadcast_in_dim3A_146, %min3A_243] : memref<16x361xf32, #tpu.memory_space<vmem>>[vector<16xi32>, vector<16xi32>], vector<16xf32>,
          %gather3A_315 = tpu.vector_load_idx %arg17[%broadcast_in_dim3A_146, %min3A_246] : memref<16x361xf32, #tpu.memory_space<vmem>>[vector<16xi32>, vector<16xi32>], vector<16xf32>,
          %gather3A_316 = tpu.vector_load_idx %arg17[%broadcast_in_dim3A_146, %min3A_249] : memref<16x361xf32, #tpu.memory_space<vmem>>[vector<16xi32>, vector<16xi32>], vector<16xf32>,
          %gather3A_317 = tpu.vector_load_idx %arg17[%broadcast_in_dim3A_146, %min3A_252] : memref<16x361xf32, #tpu.memory_space<vmem>>[vector<16xi32>, vector<16xi32>], vector<16xf32>,
          %eq3A_318 = arith.cmpi eq, %gather3A_307, %broadcast_in_dim3A_154 : vector<16xi32>
          %jit3A_319 = arith.constant 0.000000e+00 : f32
          %broadcast_in_dim3A_320 = vector.broadcast %jit3A_319 : f32 to vector<16xf32>
          %select_n3A_321 = arith.select %eq3A_318, %broadcast_in_dim3A_320, %gather3A_314 : vector<16xi1>, vector<16xf32>
          %lt3A_322 = arith.constant 361 : i32
          %lt3A_323 = vector.broadcast %lt3A_322 : i32 to vector<16xi32>
          %lt3A_324 = arith.cmpi slt, %add3A_223, %lt3A_323 : vector<16xi32>
          tpu.vector_store_idx %arg18[%broadcast_in_dim3A_146, %min3A_243], %select_n3A_321 masked %lt3A_324 : memref<16x361xf32, #tpu.memory_space<vmem>>[vector<16xi32>, vector<16xi32>], vector<16xf32>, vector<16xi1>
          %eq3A_325 = arith.cmpi eq, %gather3A_309, %broadcast_in_dim3A_154 : vector<16xi32>
          %jit3A_326 = arith.constant 0.000000e+00 : f32
          %broadcast_in_dim3A_327 = vector.broadcast %jit3A_326 : f32 to vector<16xf32>
          %select_n3A_328 = arith.select %eq3A_325, %broadcast_in_dim3A_327, %gather3A_315 : vector<16xi1>, vector<16xf32>
          %lt3A_329 = arith.constant 361 : i32
          %lt3A_330 = vector.broadcast %lt3A_329 : i32 to vector<16xi32>
          %lt3A_331 = arith.cmpi slt, %add3A_229, %lt3A_330 : vector<16xi32>
          tpu.vector_store_idx %arg18[%broadcast_in_dim3A_146, %min3A_246], %select_n3A_328 masked %lt3A_331 : memref<16x361xf32, #tpu.memory_space<vmem>>[vector<16xi32>, vector<16xi32>], vector<16xf32>, vector<16xi1>
          %eq3A_332 = arith.cmpi eq, %gather3A_311, %broadcast_in_dim3A_154 : vector<16xi32>
          %jit3A_333 = arith.constant 0.000000e+00 : f32
          %broadcast_in_dim3A_334 = vector.broadcast %jit3A_333 : f32 to vector<16xf32>
          %select_n3A_335 = arith.select %eq3A_332, %broadcast_in_dim3A_334, %gather3A_316 : vector<16xi1>, vector<16xf32>
          %lt3A_336 = arith.constant 361 : i32
          %lt3A_337 = vector.broadcast %lt3A_336 : i32 to vector<16xi32>
          %lt3A_338 = arith.cmpi slt, %add3A_235, %lt3A_337 : vector<16xi32>
          tpu.vector_store_idx %arg18[%broadcast_in_dim3A_146, %min3A_249], %select_n3A_335 masked %lt3A_338 : memref<16x361xf32, #tpu.memory_space<vmem>>[vector<16xi32>, vector<16xi32>], vector<16xf32>, vector<16xi1>
          %eq3A_339 = arith.cmpi eq, %gather3A_313, %broadcast_in_dim3A_154 : vector<16xi32>
          %jit3A_340 = arith.constant 0.000000e+00 : f32
          %broadcast_in_dim3A_341 = vector.broadcast %jit3A_340 : f32 to vector<16xf32>
          %select_n3A_342 = arith.select %eq3A_339, %broadcast_in_dim3A_341, %gather3A_317 : vector<16xi1>, vector<16xf32>
          %lt3A_343 = arith.constant 361 : i32
          %lt3A_344 = vector.broadcast %lt3A_343 : i32 to vector<16xi32>
          %lt3A_345 = arith.cmpi slt, %add3A_241, %lt3A_344 : vector<16xi32>
          tpu.vector_store_idx %arg18[%broadcast_in_dim3A_146, %min3A_252], %select_n3A_342 masked %lt3A_345 : memref<16x361xf32, #tpu.memory_space<vmem>>[vector<16xi32>, vector<16xi32>], vector<16xf32>, vector<16xi1>
        }
        %scan3A_216 = arith.constant 6 : i32
      }
      %scan3A_121 = arith.constant 4 : i32
      %dma_start3A_122 = arith.constant 0 : i32
      %dma_start3A_123 = tpu.memref_slice %arg18[%mul3A_95, %dma_start3A_122] : memref<16x361xf32, #tpu.memory_space<vmem>> -> memref<8x361xf32, #tpu.memory_space<vmem>>
      %dma_start3A_124 = arith.constant 0 : i32
      %dma_start3A_125 = tpu.memref_slice %arg9[%add3A_92, %dma_start3A_124] : memref<4096x361xf32, #tpu.memory_space<hbm>> -> memref<8x361xf32, #tpu.memory_space<hbm>>
      %dma_start3A_126 = arith.constant 0 : i32
      %dma_start3A_127 = tpu.memref_slice %arg9[%add3A_92, %dma_start3A_126] : memref<4096x361xf32, #tpu.memory_space<hbm>> -> memref<8x361xf32, #tpu.memory_space<hbm>>
      %dma_start3A_128 = arith.constant 0 : i32
      %dma_start3A_129 = tpu.memref_slice %arg18[%mul3A_95, %dma_start3A_128] : memref<16x361xf32, #tpu.memory_space<vmem>> -> memref<8x361xf32, #tpu.memory_space<vmem>>
      tpu.enqueue_dma source(%dma_start3A_129 : memref<8x361xf32, #tpu.memory_space<vmem>>) target(%dma_start3A_127 : memref<8x361xf32, #tpu.memory_space<hbm>>) target_semaphore(%arg23 : memref<!tpu.dma_semaphore, #tpu.memory_space<semaphore_mem>>)
      %ge3A = arith.constant 1 : i32
      %ge3A_130 = arith.cmpi sge, %scan3A_89, %ge3A : i32
      %convert_element_type3A_131 = arith.extui %ge3A_130 : i1 to i32
      %cond3A_132 = arith.constant 0 : i32
      %cond3A_133 = arith.cmpi ne, %convert_element_type3A_131, %cond3A_132 : i32
      scf.if %cond3A_133 {
        %sub3A = arith.constant 1 : i32
        %sub3A_134 = arith.subi %scan3A_89, %sub3A : i32
        %and3A_135 = arith.constant 1 : i32
        %and3A_136 = arith.andi %sub3A_134, %and3A_135 : i32
        %mul3A_137 = arith.constant 8 : i32
        %mul3A_138 = arith.muli %and3A_136, %mul3A_137 : i32
        %sub3A_139 = arith.constant 1 : i32
        %sub3A_140 = arith.subi %scan3A_89, %sub3A_139 : i32
        %mul3A_141 = arith.constant 8 : i32
        %mul3A_142 = arith.muli %sub3A_140, %mul3A_141 : i32
        %add3A_143 = arith.addi %mul3A_2, %mul3A_142 : i32
        %dma_wait3A_144 = arith.constant 0 : i32
        %dma_wait3A_145 = tpu.memref_slice %arg18[%mul3A_138, %dma_wait3A_144] : memref<16x361xf32, #tpu.memory_space<vmem>> -> memref<8x361xf32, #tpu.memory_space<vmem>>
        %dma_wait3A_146 = arith.constant 0 : i32
        %dma_wait3A_147 = tpu.memref_slice %arg9[%add3A_143, %dma_wait3A_146] : memref<4096x361xf32, #tpu.memory_space<hbm>> -> memref<8x361xf32, #tpu.memory_space<hbm>>
        %dma_wait3A_148 = arith.constant 0 : i32
        %dma_wait3A_149 = tpu.memref_slice %arg9[%add3A_143, %dma_wait3A_148] : memref<4096x361xf32, #tpu.memory_space<hbm>> -> memref<8x361xf32, #tpu.memory_space<hbm>>
        %dma_wait3A_150 = arith.constant 0 : i32
        %dma_wait3A_151 = tpu.memref_slice %arg18[%mul3A_138, %dma_wait3A_150] : memref<16x361xf32, #tpu.memory_space<vmem>> -> memref<8x361xf32, #tpu.memory_space<vmem>>
        tpu.wait_dma2 semaphore(%arg23 : memref<!tpu.dma_semaphore, #tpu.memory_space<semaphore_mem>>) src(%dma_wait3A_151 : memref<8x361xf32, #tpu.memory_space<vmem>>) dst(%dma_wait3A_149 : memref<8x361xf32, #tpu.memory_space<hbm>>)
      } else {
      }
    }
    %scan3A_76 = arith.constant 16 : i32
    %add3A_77 = arith.constant 120 : i32
    %add3A_78 = arith.addi %mul3A_2, %add3A_77 : i32
    %dma_wait3A_79 = arith.constant 8 : i32
    %dma_wait3A_80 = arith.constant 0 : i32
    %dma_wait3A_81 = tpu.memref_slice %arg18[%dma_wait3A_79, %dma_wait3A_80] : memref<16x361xf32, #tpu.memory_space<vmem>> -> memref<8x361xf32, #tpu.memory_space<vmem>>
    %dma_wait3A_82 = arith.constant 0 : i32
    %dma_wait3A_83 = tpu.memref_slice %arg9[%add3A_78, %dma_wait3A_82] : memref<4096x361xf32, #tpu.memory_space<hbm>> -> memref<8x361xf32, #tpu.memory_space<hbm>>
    %dma_wait3A_84 = arith.constant 0 : i32
    %dma_wait3A_85 = tpu.memref_slice %arg9[%add3A_78, %dma_wait3A_84] : memref<4096x361xf32, #tpu.memory_space<hbm>> -> memref<8x361xf32, #tpu.memory_space<hbm>>
    %dma_wait3A_86 = arith.constant 8 : i32
    %dma_wait3A_87 = arith.constant 0 : i32
    %dma_wait3A_88 = tpu.memref_slice %arg18[%dma_wait3A_86, %dma_wait3A_87] : memref<16x361xf32, #tpu.memory_space<vmem>> -> memref<8x361xf32, #tpu.memory_space<vmem>>
    tpu.wait_dma2 semaphore(%arg23 : memref<!tpu.dma_semaphore, #tpu.memory_space<semaphore_mem>>) src(%dma_wait3A_88 : memref<8x361xf32, #tpu.memory_space<vmem>>) dst(%dma_wait3A_85 : memref<8x361xf32, #tpu.memory_space<hbm>>)
    return
  }
}

</mosaic_0001>

<sc_bundles>
// kernel: kernel.3.cloned.1.call-start
scs
__scs_entry_jumppad:
0x0: {  	(pc) =	sbr.rel $0x88, $3  }
0x1: {  	(tag) =	ssettag $0x0;
	lr =	simm.s32 $0x1  }
0x2: {  	[smem:$0x3F9B] =	sst lr;
	_ =	strace $0xD0000000  }
0x3: {  	_ = 	snop  }
0x4: {  	_ = 	snop  }
0x5: {  	_ = 	snop  }
0x6: {  	_ = 	snop  }
0x7: {  	_ = 	snop  }
__scs_overlays_trampoline_lowered:
0x8: {  	[smem:$0x3FAA] =	sst s0  }
0x9: {  	[smem:$0x3FAB] =	sst s1  }
0xa: {  	[smem:$0x3FAC] =	sst s2  }
0xb: {  	[smem:$0x3FAD] =	sst s3  }
0xc: {  	[smem:$0x3FAE] =	sst s4  }
0xd: {  	[smem:$0x3FAF] =	sst s5  }
0xe: {  	[smem:$0x3FB0] =	sst s6  }
0xf: {  	[smem:$0x3FB1] =	sst s7  }
0x10: {  	[smem:$0x3FB2] =	sst s8  }
0x11: {  	[smem:$0x3FB3] =	sst s9;
	s0 =	simm.s32 @!p0 $0x0  }
0x12: {  	s1 =	sld [smem:$0x3F99];
	s0 =	simm.s32 @p0 $0x1  }
0x13: {  	[smem:$0x3FB4] =	sst s0;
	s0 =	simm.s32 @!p1 $0x0  }
0x14: {  	s2 =	sld [smem:$0x3F98];
	s0 =	simm.s32 @p1 $0x1  }
0x15: {  	[smem:$0x3FB5] =	sst s0;
	s0 =	simm.s32 @!p2 $0x0  }
0x16: {  	s3 =	sld [smem:$0x3FDB];
	s0 =	simm.s32 @p2 $0x1  }
0x17: {  	s4 =	simm.s32 $0x1BF5;
	[smem:$0x3FB7] =	sst s0  }
0x18: {  	s0 =	sld [smem:$0x3F9A];
	_ =	swait.ge [sflag:s4], $0x0  }
0x19: {  	s7 =	sld [smem:$0x3F9B]  }
0x1a: {  	s8 =	sadd.s32 $0xFFFFE003, lr  }
0x1b: {  	s9 =	sadd.s32 $0xFFFFFEF7, lr;
	s5 =	simm.s32 $0xFFFFFFFF;
	p2 =	slt.u32 s8, $0xFFFFF086  }
0x1c: {  	p1 =	slt.u32 s9, $0xF7A;
	s5 =	simm.s32 @!p2 $0x0  }
0x1d: {  	s5 =	simm.s32 @p1 $0x1;
	p0 =	seq.s32 s7, s2  }
0x1e: {  	s7 =	smul.u32 @!p0 $0xF7A, s2;
	p2 =	seq.s32 @!p0 s5, $0x0  }
0x1f: {  	s9 =	smul.u32 $0xF7A, s1;
	s8 =	simm.s32 @!p0 $0x1BF5;
	p2 =	por !p2, p0  }
0x20: {  	[sflag:s8] =	ssyncset.s32 @!p0 $0xFFFFF086;
	s6 =	sadd.s32 @!p0 s3, s7;
	s7 =	simm.s32 @!p0 $0x108  }
0x21: {  	s3 =	sadd.s32 s3, s9;
	s6 =	sadd.s32 @!p0 $0x88, s6;
	s7 =	simm.s32 @p2 $0x1082  }
0x22: {  	[simem:s7], [sflag:s8] =	dma.local @!p0 [hbm:s6], $0xF7A  }
0x23: {  	s9 =	sor.u32 $0xD0000000, s2;
	s6 =	simm.s32 $0x108;
	_ =	swait.ge @!p0 [sflag:s8], $0x0  }
0x24: {  	s3 =	sadd.s32 $0x88, s3;
	s6 =	simm.s32 @!p1 $0x1082;
	[sflag:s4] =	ssyncset.s32 $0xFFFFF086  }
0x25: {  	[simem:s6], [sflag:s4] =	dma.local [hbm:s3], $0xF7A  }
0x26: {  	[smem:$0x3F9B] =	sst s1;
	(tag) =	ssettag s2;
	_ =	strace s9  }
0x27: {  	s1 =	sld [smem:$0x3FAB]  }
0x28: {  	s2 =	sld [smem:$0x3FAC]  }
0x29: {  	s4 =	sld [smem:$0x3FAE]  }
0x2a: {  	p0 =	seq.s32 s5, $0x0;
	s5 =	sld [smem:$0x3FAF]  }
0x2b: {  	s6 =	sld [smem:$0x3FB0]  }
0x2c: {  	s7 =	sld [smem:$0x3FB1]  }
0x2d: {  	s3 =	simm.s32 $0x108;
	s8 =	sld [smem:$0x3FB2]  }
0x2e: {  	s3 =	simm.s32 @!p0 $0x1082;
	s9 =	sld [smem:$0x3FB3]  }
0x2f: {  	lr =	sadd.s32 s0, s3;
	s0 =	sld [smem:$0x3FAA]  }
0x30: {  	s3 =	sld [smem:$0x3FAD]  }
0x31: {  	[smem:$0x3FB6] =	sst s10  }
0x32: {  	s10 =	sld [smem:$0x3FB4];
	_ =	sdelay $0x3  }
0x33: {  	p0 =	seq.s32 s10, $0x1;
	s10 =	sld [smem:$0x3FB6];
	_ =	sdelay $0x3  }
0x34: {  	[smem:$0x3FB6] =	sst s10  }
0x35: {  	s10 =	sld [smem:$0x3FB5];
	_ =	sdelay $0x3  }
0x36: {  	p1 =	seq.s32 s10, $0x1;
	s10 =	sld [smem:$0x3FB6];
	_ =	sdelay $0x3  }
0x37: {  	[smem:$0x3FB6] =	sst s10  }
0x38: {  	s10 =	sld [smem:$0x3FB7]  }
0x39: {  	_ = 	snop;
	(pc) =	sbr.ind lr, $3  }
0x3a: {  	_ = 	snop  }
0x3b: {  	_ = 	snop  }
0x3c: {  	p2 =	seq.s32 s10, $0x1;
	s10 =	sld [smem:$0x3FB6]  }
0x3d: {  	_ =	shalt  }
0x3e: {  	_ =	shalt  }
0x3f: {  	_ =	shalt  }
0x40: {  	_ =	shalt  }
0x41: {  	_ =	shalt  }
0x42: {  	_ =	shalt  }
0x43: {  	_ =	shalt  }
0x44: {  	_ =	shalt  }
0x45: {  	_ =	shalt  }
0x46: {  	_ =	shalt  }
0x47: {  	_ =	shalt  }
0x48: {  	_ =	shalt  }
0x49: {  	_ =	shalt  }
0x4a: {  	_ =	shalt  }
0x4b: {  	_ =	shalt  }
0x4c: {  	_ =	shalt  }
0x4d: {  	_ =	shalt  }
0x4e: {  	_ =	shalt  }
0x4f: {  	_ =	shalt  }
0x50: {  	_ =	shalt  }
0x51: {  	_ =	shalt  }
0x52: {  	_ =	shalt  }
0x53: {  	_ =	shalt  }
0x54: {  	_ =	shalt  }
0x55: {  	_ =	shalt  }
0x56: {  	_ =	shalt  }
0x57: {  	_ =	shalt  }
0x58: {  	_ =	shalt  }
0x59: {  	_ =	shalt  }
0x5a: {  	_ =	shalt  }
0x5b: {  	_ =	shalt  }
0x5c: {  	_ =	shalt  }
0x5d: {  	_ =	shalt  }
0x5e: {  	_ =	shalt  }
0x5f: {  	_ =	shalt  }
0x60: {  	_ =	shalt  }
0x61: {  	_ =	shalt  }
0x62: {  	_ =	shalt  }
0x63: {  	_ =	shalt  }
0x64: {  	_ =	shalt  }
0x65: {  	_ =	shalt  }
0x66: {  	_ =	shalt  }
0x67: {  	_ =	shalt  }
0x68: {  	_ =	shalt  }
0x69: {  	_ =	shalt  }
0x6a: {  	_ =	shalt  }
0x6b: {  	_ =	shalt  }
0x6c: {  	_ =	shalt  }
0x6d: {  	_ =	shalt  }
0x6e: {  	_ =	shalt  }
0x6f: {  	_ =	shalt  }
0x70: {  	_ =	shalt  }
0x71: {  	_ =	shalt  }
0x72: {  	_ =	shalt  }
0x73: {  	_ =	shalt  }
0x74: {  	_ =	shalt  }
0x75: {  	_ =	shalt  }
0x76: {  	_ =	shalt  }
0x77: {  	_ =	shalt  }
0x78: {  	_ =	shalt  }
0x79: {  	_ =	shalt  }
0x7a: {  	_ =	shalt  }
0x7b: {  	_ =	shalt  }
0x7c: {  	_ =	shalt  }
0x7d: {  	_ =	shalt  }
0x7e: {  	_ =	shalt  }
0x7f: {  	_ =	shalt  }
0x80: {  	_ =	shalt  }
0x81: {  	_ =	shalt  }
0x82: {  	_ =	shalt  }
0x83: {  	_ =	shalt  }
0x84: {  	_ =	shalt  }
0x85: {  	_ =	shalt  }
0x86: {  	_ =	shalt  }
0x87: {  	_ =	shalt  }
.Lfunc_end0:
.L_simem_size_0:
called_computation_lowered:
.L_overlay_start_0:
0x88: {  	s2 =	sld [smem:$0x3FD9]  }
0x89: {  	s3 =	sld [smem:$0x3FFE];
	_ =	sdelay $0x1  }
0x8a: {  	s1 =	srdreg.scid  }
0x8b: {  	s0 =	sand.u32 $0x1, s1  }
0x8c: {  	s17 =	sshll.u32 s0, $0xA;
	s2 =	sadd.s32 s3, s2  }
0x8d: {  	s2 =	sadd.s32 s2, s17  }
0x8e: {  	[smem:$0x3FC2] =	sst s2  }
0x8f: {  	_ = 	snop  }
0x90: {  	s2 =	sld [smem:$0x3FC8]  }
0x91: {  	s18 =	sld [smem:$0x3FC7]  }
0x92: {  	s4 =	sld [smem:$0x3FC6]  }
0x93: {  	s5 =	sld [smem:$0x3FD0];
	(tm) =	ssettm $0x1  }
0x94: {  	s6 =	sld [smem:$0x3FFB];
	_ =	sdelay $0x3  }
0x95: {  	_ =	strace s6  }
0x96: {  	s6 =	sld [smem:$0x3FFC];
	_ =	sdelay $0x3  }
0x97: {  	_ =	strace s6  }
0x98: {  	s6 =	sld [smem:$0x3FFD];
	_ =	sdelay $0x3  }
0x99: {  	_ =	strace s6  }
0x9a: {  	_ =	strace $0x8FFFFFFF  }
0x9b: {  	s19 =	sld [smem:$0x3FDB];
	_ =	sdelay $0x1  }
0x9c: {  	s7 =	simm.s32 $_scs_section_size  }
0x9d: {  	s8 =	simm.s32 $_size__tile_overlayer_lowered;
	s9 =	simm.s32 $_tile_overlayer_lowered  }
0x9e: {  	s22 =	simm.s32 $0x1BFF;
	s21 =	sshll.u32 s9, $0x1;
	s6 =	sadd.s32 s7, s19  }
0x9f: {  	s10 =	simm.s32 $0x0;
	s20 =	sshll.u32 s8, $0x1;
	s8 =	sadd.s32 s21, s6  }
0xa0: {  	[timem:s10], [sflag:s22] =	dma.local [hbm:s8], s20  }
0xa1: {  	_ =	swait.ge [sflag:s22], s20  }
0xa2: {  	s7 =	ssub.s32 $0x0, s20;
	[sflag:s22] =	ssyncset.done $0x0  }
0xa3: {  	[sflag:s22] =	ssyncadd.s32 s7;
	_ =	sdelay $0x1  }
0xa4: {  	s23 =	simm.s32 $0x1B8B  }
0xa5: {  	_ =	swait.ge [sflag:s23], $0x1  }
0xa6: {  	[sflag:s23] =	ssyncset.done $0x0  }
0xa7: {  	s25 =	simm.s32 $0x1B8E;
	s24 =	sld [smem:$0x3FFE];
	[sflag:s23] =	ssyncadd.s32 $0xFFFFFFFF  }
0xa8: {  	s26 =	simm.s32 $execute0_lowered;
	[smem:$0x3FD2] =	sst s25  }
0xa9: {  	s8 =	sshll.u32 s26, $0x1;
	_ =	strace $0x80000046;
	[dreg:$0x1] =	wrdreg $0xFFFFFFFF  }
0xaa: {  	s28 =	simm.s32 $_size_execute0_lowered;
	s6 =	sadd.s32 s6, s8;
	[dreg:$0x0] =	wrdreg $0x0  }
0xab: {  	s8 =	sshll.u32 s28, $0x1;
	[dreg:$0x2] =	wrdreg s6  }
0xac: {  	[dreg:$0x3] =	wrdreg s8  }
0xad: {  	[dreg:$0x4] =	wrdreg $0xC0  }
0xae: {  	_ =	task [dreg:s10], $0x5FFFF  }
0xaf: {  	[dreg:$0x1] =	wrdreg $0xFFFFFFFF  }
0xb0: {  	[dreg:$0x0] =	wrdreg $0x60  }
0xb1: {  	[dreg:$0x2] =	wrdreg s24  }
0xb2: {  	[dreg:$0x3] =	wrdreg s2  }
0xb3: {  	[dreg:$0x4] =	wrdreg s18  }
0xb4: {  	[dreg:$0x5] =	wrdreg s4  }
0xb5: {  	[dreg:$0x6] =	wrdreg s5  }
0xb6: {  	[dreg:$0x7] =	wrdreg $0x9  }
0xb7: {  	_ =	task.clear_ibuf [dreg:s10], $0x8FFFF;
	_ =	strace $0x90000046  }
0xb8: {  	s29 =	simm.s32 $0x9;
	_ =	strace $0x80000048  }
0xb9: {  	_ =	swait.ge [sflag:s29], $0x1  }
0xba: {  	[sflag:s29] =	ssyncadd.s32 $0xFFFFFFFF  }
0xbb: {  	_ =	strace $0x90000048  }
0xbc: {  	_ =	sfence  }
0xbd: {  	s30 =	sld [smem:$0x0];
	_ =	sdelay $0x2  }
0xbe: {  	s31 =	sshll.u32 s1, $0xD;
	s1 =	sshrl.u32 s1, $0x2  }
0xbf: {  	s3 =	sand.u32 $0x4000, s31;
	s1 =	sadd.s32 s1, s30  }
0xc0: {  	s0 =	sor.u32 s3, s0;
	s1 =	sshll.u32 s1, $0x11  }
0xc1: {  	s0 =	sor.u32 s1, s0  }
0xc2: {  	s0 =	sadd.s32 $0x8F2B, s0  }
0xc3: {  	[sflag:s0] =	ssyncadd.remote.s32 $0x1  }
0xc4: {  	_ =	sfence.sel $0xFFFF  }
0xc5: {  	[dreg:$0x0] =	wrdreg $0xFFFFFFFF;
	(pc) =	sbr.abs _section_cstart, $3  }
0xc6: {  	[dreg:$0x1] =	wrdreg $0xFFFFFFFF  }
0xc7: {  	_ =	task.clear_ibuf [dreg:s10], $0x2FFFF;
	_ =	strace $0x9FFFFFFF  }
0xc8: {  	(tm) =	ssettm $0x7FFFFFFF  }
0xc9: {  	_ =	shalt  }
tec
execute0_lowered:
.L_overlay_start_1:
0x0: {  	(tag) =	ssettag $0x1  }
0x1: {  	s8 =	rddreg [dreg:$0x0]  }
0x2: {  	s0 =	rddreg [dreg:$0x1]  }
0x3: {  	s1 =	rddreg [dreg:$0x2]  }
0x4: {  	s2 =	rddreg [dreg:$0x3]  }
0x5: {  	s3 =	simm.s32 $0x0;
	s4 =	srdreg.scid;
	s6 =	stileid.u32  }
0x6: {  	s15 =	simm.s32 $0x400;
	s16 =	simm.s32 $0xA00;
	s17 =	simm.s32 $0xA80  }
0x7: {  	s18 =	simm.s32 $0xB00;
	s19 =	simm.s32 $0x5380;
	s20 =	simm.s32 $0x6380  }
0x8: {  	s21 =	simm.s32 $0x4;
	s28 =	simm.s32 $0x3B80;
	s29 =	simm.s32 $0x3  }
0x9: {  	s30 =	simm.s32 $0x0;
	[smem:$0x7FF] =	sst s3;
	s4 =	sand.u32 $0x1, s4  }
0xa: {  	s7 =	sshll.u32 s6, $0x5;
	s9 =	ssub.s32 $0x2, s4;
	s4 =	sshll.u32 s4, $0x4  }
0xb: {  	s5 =	sadd.s32 $0x200, s8;
	s6 =	sadd.s32 $0x30200, s8;
	s7 =	sor.u32 s4, s7  }
0xc: {  	_ =	strace $0x80000047;
	s10 =	sshrl.u32 s9, $0x1;
	s0 =	sadd.s32 s0, s7  }
0xd: {  	s22 =	ssub.s32 s9, s10;
	s24 =	sadd.s32 s1, s7;
	[dreg:$0x6] =	wrdreg s0  }
0xe: {  	s23 =	smul.u32 $0x180, s7;
	s25 =	sadd.s32 s2, s7;
	[dreg:$0x7] =	wrdreg s24  }
0xf: {  	s8 =	sadd.s32 $0x60200, s8;
	[dreg:$0x8] =	wrdreg s25;
	s14 =	smax.u32 s22, $0x1  }
0x10: {  	s22 =	simm.s32 $0x700;
	s24 =	simm.s32 $0x2380;
	s26 =	sadd.s32 s5, s23  }
0x11: {  	v0 =	vlaneseq.u32;
	v1 =	vimm.s32 $0xFFFFFFFF;
	v2 =	vimm.s32 $0x0;
	s25 =	simm.s32 $0x1;
	s31 =	sadd.s32 s6, s23;
	[dreg:$0x9] =	wrdreg s26  }
0x12: {  	v3 =	vimm.s32 $0x1;
	v4 =	vimm.s32 $0xF;
	v5 =	vimm.f32 $0.0e+00;
	s23 =	simm.s32 $0xB80;
	[dreg:$0xa] =	wrdreg s31;
	s26 =	simm.s32 $0x2  }
.LBB2_1:
0x13: {  	s0 =	rddreg [dreg:$0x4]  }
0x14: {  	[tilespmem:s3], [sflag:$0x4] =	stream.linear.gather [hbm4b:s0+s3], $0x400, $0x38;
	[tilespmem:$0x7380] =	vst v63  }
0x15: {  	s11 =	rddreg [dreg:$0x0]  }
0x16: {  	[tilespmem:s15], [sflag:$0x4] =	stream.linear.gather [hbm4b:s11+s3], $0x300, $0x38;
	[tilespmem:$0x7380] =	vst v63  }
0x17: {  	s12 =	rddreg [dreg:$0x6]  }
0x18: {  	[tilespmem:s16], [sflag:$0x4] =	stream.linear.gather [hbm4b:s12+s3], $0x80, $0x38;
	[tilespmem:$0x7380] =	vst v63  }
0x19: {  	s13 =	rddreg [dreg:$0x7]  }
0x1a: {  	[tilespmem:s17], [sflag:$0x4] =	stream.linear.gather [hbm4b:s13+s3], $0x80, $0x38;
	[tilespmem:$0x7380] =	vst v63  }
0x1b: {  	s31 =	rddreg [dreg:$0x8];
	s0 =	simm.s32 $0x0  }
0x1c: {  	[tilespmem:s18], [sflag:$0x4] =	stream.linear.gather [hbm4b:s31+s3], $0x80, $0x38;
	[tilespmem:$0x7380] =	vst v63  }
.LBB2_2:
0x1d: {  	v6 =	vor.u32 s0, v0;
	p0 =	sne.s32 s0, $0xFF0  }
.Ltmp0:
0x1e: {  	_ = 	snop;
	(pc) =	sbr.rel @p0 .LBB2_2-.Ltmp0, $2  }
0x1f: {  	_ =	sdelay $0x2  }
0x20: {  	s0 =	sadd.s32 $0x10, s0;
	[tilespmem:v6+s19+$0x0] =	vst.idx.msk $0xffff, v1  }
0x21: {  	s1 =	simm.s32 $0x0  }
0x22: {  	s0 =	simm.s32 $0x10;
	v6 =	vor.u32 s1, v0  }
.LBB2_4:
0x23: {  	p0 =	sne.s32 s0, $0xFF0  }
.Ltmp1:
0x24: {  	_ = 	snop;
	(pc) =	sbr.rel @p0 .LBB2_4-.Ltmp1, $3  }
0x25: {  	_ =	sdelay $0x1  }
0x26: {  	[tilespmem:v6+s20+$0x0] =	vst.idx.msk $0xffff, v2;
	s1 =	smov.u32 s0;
	s0 =	sadd.s32 $0x10, s0  }
0x27: {  	v6 =	vor.u32 s1, v0  }
0x28: {  	_ =	sdelay $0x3  }
0x29: {  	[tilespmem:v6+s20+$0x0] =	vst.idx.msk $0xffff, v2  }
0x2a: {  	_ =	swait.ge [sflag:s21], $0x400  }
0x2b: {  	[sflag:s21] =	ssyncset.done $0x0  }
0x2c: {  	[sflag:s21] =	ssyncadd.s32 $0xFFFFFC00  }
0x2d: {  	_ =	swait.ge [sflag:s21], $0x300  }
0x2e: {  	[sflag:s21] =	ssyncset.done $0x0  }
0x2f: {  	[sflag:s21] =	ssyncadd.s32 $0xFFFFFD00  }
0x30: {  	_ =	swait.ge [sflag:s21], $0x80  }
0x31: {  	[sflag:s21] =	ssyncset.done $0x0  }
0x32: {  	[sflag:s21] =	ssyncadd.s32 $0xFFFFFF80  }
0x33: {  	s0 =	simm.s32 $0x0;
	_ =	swait.ge [sflag:s21], $0x80  }
0x34: {  	v7 =	vor.u32 s0, v0;
	[sflag:s21] =	ssyncset.done $0x0  }
0x35: {  	[sflag:s21] =	ssyncadd.s32 $0xFFFFFF80  }
0x36: {  	_ =	swait.ge [sflag:s21], $0x80  }
0x37: {  	[sflag:s21] =	ssyncset.done $0x0  }
0x38: {  	[sflag:s21] =	ssyncadd.s32 $0xFFFFFF80  }
0x39: {  	v6 =	vld.idx.msk [tilespmem:v7+s15+$0x0], $0xffff;
	_ =	sdelay $0x3  }
0x3a: {  	p0 =	por $0x0, $0x0;
	s2 =	simm.s32 $0x800  }
0x3b: {  	s2 =	simm.s32 @!p0 $0x0;
	v6 =	vshra.s32 v6, $0x14  }
0x3c: {  	s1 =	simm.s32 $0x10;
	v6 =	vadd.s32 s2, v6  }
0x3d: {  	s0 =	simm.s32 $0x1;
	v8 =	vor.u32 s1, v0;
	s2 =	simm.s32 $0x2  }
.LBB2_6:
0x3e: {  	p0 =	sne.s32 s2, $0x2F;
	_ =	sdelay $0x2  }
0x3f: {  	[tilespmem:v6+s20+$0x0] =	vst.idx.add.s32.msk $0xffff, v3  }
0x40: {  	v6 =	vld.idx.msk [tilespmem:v8+s15+$0x0], $0xffff;
	_ =	sdelay $0x3  }
.Ltmp2:
0x41: {  	(pc) =	sbr.rel @p0 .LBB2_6-.Ltmp2, $4  }
0x42: {  	p1 =	sgt.u32 s0, $0x17;
	s0 =	smov.u32 s2;
	s4 =	simm.s32 $0x800  }
0x43: {  	s4 =	simm.s32 @!p1 $0x0;
	v6 =	vshra.s32 v6, $0x14  }
0x44: {  	s1 =	sadd.s32 $0x10, s1;
	v6 =	vadd.s32 s4, v6  }
0x45: {  	s2 =	sadd.s32 $0x1, s2;
	v8 =	vor.u32 s1, v0  }
0x46: {  	_ =	sdelay $0x3  }
0x47: {  	[tilespmem:v6+s20+$0x0] =	vst.idx.add.s32.msk $0xffff, v3  }
0x48: {  	v6 =	vld.idx.msk [tilespmem:v8+s15+$0x0], $0xffff;
	_ =	sdelay $0x3  }
0x49: {  	p0 =	sgt.u32 s0, $0x17;
	s0 =	simm.s32 $0x800  }
0x4a: {  	s0 =	simm.s32 @!p0 $0x0;
	v6 =	vshra.s32 v6, $0x14  }
0x4b: {  	v6 =	vadd.s32 s0, v6;
	_ =	sdelay $0x4  }
0x4c: {  	[tilespmem:v6+s20+$0x0] =	vst.idx.add.s32.msk $0xffff, v3  }
0x4d: {  	v8 =	vld.idx.msk [tilespmem:v7+s20+$0x0], $0xffff;
	_ =	sdelay $0x4  }
0x4e: {  	(xrf0) =	vadd.scan.msk.s32 $0xffff, v8;
	_ =	sdelay $0x2  }
0x4f: {  	s31 =	simm.s32 $0x10;
	v6 =	vimm.s32 $0x0  }
0x50: {  	v9 =	vor.u32 s31, v0;
	s0 =	simm.s32 $0x20;
	v10 =	vsub.s32 v6, v8;
	v8 =	vimm.s32 $0x0  }
.LBB2_8:
0x51: {  	p0 =	sne.s32 s0, $0x7F0  }
0x52: {  	v11, _, _ =	vpop (xrf0)  }
0x53: {  	v10 =	vadd.s32 v11, v10;
	v11 =	vperm.xlane v11, v4  }
0x54: {  	[tilespmem:v7+s20+$0x0] =	vst.idx.msk $0xffff, v10;
	v7 =	vmov v9  }
0x55: {  	v9 =	vld.idx.msk [tilespmem:v9+s20+$0x0], $0xffff;
	v8 =	vadd.s32 v8, v11;
	_ =	sdelay $0x5  }
.Ltmp3:
0x56: {  	v10 =	vsub.s32 v8, v9;
	(xrf0) =	vadd.scan.msk.s32 $0xffff, v9;
	(pc) =	sbr.rel @p0 .LBB2_8-.Ltmp3, $2  }
0x57: {  	_ =	sdelay $0x2  }
0x58: {  	v9 =	vor.u32 s0, v0;
	s0 =	sadd.s32 $0x10, s0  }
0x59: {  	_ =	sdelay $0x1  }
0x5a: {  	v11, _, _ =	vpop (xrf0)  }
0x5b: {  	v10 =	vadd.s32 v11, v10  }
0x5c: {  	[tilespmem:v7+s20+$0x0] =	vst.idx.msk $0xffff, v10  }
0x5d: {  	v10 =	vld.idx.msk [tilespmem:v9+s20+$0x0], $0xffff;
	_ =	sdelay $0x4  }
0x5e: {  	(xrf0) =	vadd.scan.msk.s32 $0xffff, v10;
	_ =	sdelay $0x2  }
0x5f: {  	s0 =	simm.s32 $0x800;
	v11 =	vperm.xlane v11, v4  }
0x60: {  	v7 =	vor.u32 s0, v0  }
0x61: {  	v8 =	vadd.s32 v8, v11  }
0x62: {  	v8 =	vsub.s32 v8, v10;
	v10, _, _ =	vpop (xrf0)  }
0x63: {  	v8 =	vadd.s32 v10, v8  }
0x64: {  	[tilespmem:v9+s20+$0x0] =	vst.idx.msk $0xffff, v8  }
0x65: {  	v8 =	vld.idx.msk [tilespmem:v7+s20+$0x0], $0xffff;
	_ =	sdelay $0x4  }
0x66: {  	(xrf0) =	vadd.scan.msk.s32 $0xffff, v8;
	_ =	sdelay $0x2  }
0x67: {  	s31 =	simm.s32 $0x810  }
0x68: {  	s0 =	simm.s32 $0x820;
	v9 =	vsub.s32 v6, v8;
	v8 =	vor.u32 s31, v0  }
.LBB2_10:
0x69: {  	p0 =	sne.s32 s0, $0xFF0  }
0x6a: {  	v10, _, _ =	vpop (xrf0)  }
0x6b: {  	v9 =	vadd.s32 v10, v9;
	v10 =	vperm.xlane v10, v4  }
0x6c: {  	[tilespmem:v7+s20+$0x0] =	vst.idx.msk $0xffff, v9;
	v7 =	vmov v8  }
0x6d: {  	v8 =	vld.idx.msk [tilespmem:v8+s20+$0x0], $0xffff;
	v6 =	vadd.s32 v6, v10;
	_ =	sdelay $0x5  }
.Ltmp4:
0x6e: {  	v9 =	vsub.s32 v6, v8;
	(xrf0) =	vadd.scan.msk.s32 $0xffff, v8;
	(pc) =	sbr.rel @p0 .LBB2_10-.Ltmp4, $2  }
0x6f: {  	_ =	sdelay $0x2  }
0x70: {  	v8 =	vor.u32 s0, v0;
	s0 =	sadd.s32 $0x10, s0  }
0x71: {  	_ =	sdelay $0x1  }
0x72: {  	v10, _, _ =	vpop (xrf0)  }
0x73: {  	v9 =	vadd.s32 v10, v9  }
0x74: {  	[tilespmem:v7+s20+$0x0] =	vst.idx.msk $0xffff, v9  }
0x75: {  	v7 =	vld.idx.msk [tilespmem:v8+s20+$0x0], $0xffff;
	_ =	sdelay $0x4  }
0x76: {  	(xrf0) =	vadd.scan.msk.s32 $0xffff, v7;
	_ =	sdelay $0x2  }
0x77: {  	v63 =	vperm.xlane v10, v4;
	_ =	sdelay $0x1  }
0x78: {  	v6 =	vadd.s32 v6, v63  }
0x79: {  	v6 =	vsub.s32 v6, v7;
	v7, _, _ =	vpop (xrf0)  }
0x7a: {  	v6 =	vadd.s32 v7, v6  }
0x7b: {  	s0 =	simm.s32 $0x0;
	[tilespmem:v8+s20+$0x0] =	vst.idx.msk $0xffff, v6  }
.LBB2_12:
0x7c: {  	p0 =	sgt.u32 s0, $0x17;
	s1 =	simm.s32 $0xFFFFFE8  }
0x7d: {  	s4 =	simm.s32 $0x200;
	s1 =	simm.s32 @!p0 $0x0  }
0x7e: {  	s2 =	simm.s32 $0x180;
	s4 =	simm.s32 @!p0 $0x0;
	s1 =	sadd.s32 s0, s1  }
0x7f: {  	s2 =	simm.s32 @!p0 $0x0;
	v7 =	vmov s4;
	s1 =	sshll.u32 s1, $0x4  }
0x80: {  	v8 =	vor.u32 $0xFF, v7;
	s1 =	sadd.s32 s2, s1  }
0x81: {  	v6 =	vor.u32 s1, v0;
	_ =	sdelay $0x3  }
0x82: {  	v8 =	vld.idx.msk [tilespmem:v8+s3+$0x0], $0xffff  }
0x83: {  	v9 =	vld.idx.msk [tilespmem:v6+s15+$0x0], $0xffff;
	_ =	sdelay $0x4  }
0x84: {  	vm0 =	vlt.s32 v8, v9  }
0x85: {  	v8 =	vsel vm0, $0x100, v2  }
0x86: {  	v7 =	vadd.s32 $0xFFFFFFFF, v7;
	v10 =	vor.u32 $0x80, v8  }
0x87: {  	v11 =	vadd.s32 v10, v7;
	_ =	sdelay $0x4  }
0x88: {  	v11 =	vld.idx.msk [tilespmem:v11+s3+$0x0], $0xffff;
	_ =	sdelay $0x4  }
0x89: {  	vm8 =	vlt.s32 v11, v9  }
0x8a: {  	v8 =	vsel vm8, v10, v8  }
0x8b: {  	v10 =	vor.u32 $0x40, v8  }
0x8c: {  	v59 =	vadd.s32 v10, v7;
	_ =	sdelay $0x4  }
0x8d: {  	v11 =	vld.idx.msk [tilespmem:v59+s3+$0x0], $0xffff;
	_ =	sdelay $0x4  }
0x8e: {  	vm9 =	vlt.s32 v11, v9  }
0x8f: {  	v8 =	vsel vm9, v10, v8  }
0x90: {  	v10 =	vor.u32 $0x20, v8  }
0x91: {  	v60 =	vadd.s32 v10, v7;
	_ =	sdelay $0x4  }
0x92: {  	v11 =	vld.idx.msk [tilespmem:v60+s3+$0x0], $0xffff;
	_ =	sdelay $0x4  }
0x93: {  	vm10 =	vlt.s32 v11, v9  }
0x94: {  	v8 =	vsel vm10, v10, v8  }
0x95: {  	v10 =	vadd.s32 $0x10, v8  }
0x96: {  	v61 =	vadd.s32 v10, v7;
	_ =	sdelay $0x4  }
0x97: {  	v11 =	vld.idx.msk [tilespmem:v61+s3+$0x0], $0xffff;
	_ =	sdelay $0x4  }
0x98: {  	vm11 =	vlt.s32 v11, v9  }
0x99: {  	v8 =	vsel vm11, v10, v8  }
0x9a: {  	v10 =	vadd.s32 $0x8, v8  }
0x9b: {  	v62 =	vadd.s32 v10, v7;
	_ =	sdelay $0x4  }
0x9c: {  	v11 =	vld.idx.msk [tilespmem:v62+s3+$0x0], $0xffff;
	_ =	sdelay $0x4  }
0x9d: {  	vm12 =	vlt.s32 v11, v9  }
0x9e: {  	v8 =	vsel vm12, v10, v8  }
0x9f: {  	v10 =	vadd.s32 $0x4, v8  }
0xa0: {  	v63 =	vadd.s32 v10, v7;
	_ =	sdelay $0x4  }
0xa1: {  	v11 =	vld.idx.msk [tilespmem:v63+s3+$0x0], $0xffff;
	_ =	sdelay $0x4  }
0xa2: {  	vm13 =	vlt.s32 v11, v9  }
0xa3: {  	v8 =	vsel vm13, v10, v8  }
0xa4: {  	v10 =	vadd.s32 $0x2, v8  }
0xa5: {  	v7 =	vadd.s32 v10, v7;
	_ =	sdelay $0x4  }
0xa6: {  	v7 =	vld.idx.msk [tilespmem:v7+s3+$0x0], $0xffff;
	_ =	sdelay $0x4  }
0xa7: {  	vm14 =	vlt.s32 v7, v9  }
0xa8: {  	v7 =	vsel vm14, v10, v8  }
0xa9: {  	v8 =	vadd.s32 s4, v7;
	_ =	sdelay $0x4  }
0xaa: {  	v8 =	vld.idx.msk [tilespmem:v8+s3+$0x0], $0xffff;
	_ =	sdelay $0x2  }
0xab: {  	p0 =	sne.s32 s0, $0x2F  }
.Ltmp5:
0xac: {  	_ = 	snop;
	(pc) =	sbr.rel @p0 .LBB2_12-.Ltmp5, $4  }
0xad: {  	vm15 =	vlt.s32 v8, v9  }
0xae: {  	v8 =	vsel vm15, $0x1, v2  }
0xaf: {  	v7 =	vadd.s32 v8, v7  }
0xb0: {  	s0 =	sadd.s32 $0x1, s0;
	[tilespmem:v6+s22+$0x0] =	vst.idx.msk $0xffff, v7  }
0xb1: {  	s31 =	simm.s32 $0x0;
	s0 =	rddreg [dreg:$0x9]  }
0xb2: {  	[tilespmem:s23], [sflag:$0x1] =	stream.linear.gather [hbm4b:s0+s31], $0xC00, $0x38;
	[tilespmem:$0x7380] =	vst v63  }
0xb3: {  	s13 =	rddreg [dreg:$0xa]  }
0xb4: {  	[tilespmem:s24], [sflag:$0x2] =	stream.linear.gather [hbm4b:s13+s31], $0xC00, $0x38;
	[tilespmem:$0x7380] =	vst v63  }
.LBB2_14:
0xb5: {  	_ =	swait.ge [sflag:s25], $0xC00;
	s0 =	sadd.s32 $0x1, s31;
	p0 =	seq.s32 s31, $0xF  }
0xb6: {  	[sflag:s25] =	ssyncset.done $0x0;
	s1 =	sand.u32 @!p0 $0x1, s0;
	s2 =	simm.s32 @!p0 $0xC00  }
0xb7: {  	[sflag:s25] =	ssyncadd.s32 $0xFFFFF400;
	p1 =	seq.s32 @!p0 s1, $0x1;
	s1 =	sadd.s32 @!p0 s7, s0  }
0xb8: {  	_ =	swait.ge [sflag:s26], $0xC00;
	p1 =	por !p1, p0;
	s1 =	smul.u32 @!p0 $0x180, s1  }
0xb9: {  	s10 =	simm.s32 @!p0 $0x0;
	[sflag:s26] =	ssyncset.done $0x0;
	s2 =	simm.s32 @p1 $0x0  }
0xba: {  	[sflag:s26] =	ssyncadd.s32 $0xFFFFF400;
	s4 =	sadd.s32 @!p0 s5, s1;
	s9 =	sadd.s32 @!p0 $0xB80, s2  }
0xbb: {  	[tilespmem:s9], [sflag:$0x1] =	stream.linear.gather @!p0 [hbm4b:s4+s10], $0xC00, $0x38;
	[tilespmem:$0x7380] =	vst v63  }
0xbc: {  	s1 =	sadd.s32 @!p0 s6, s1;
	s2 =	sor.u32 @!p0 $0x2380, s2  }
0xbd: {  	[tilespmem:s2], [sflag:$0x2] =	stream.linear.gather @!p0 [hbm4b:s1+s10], $0xC00, $0x38;
	[tilespmem:$0x7380] =	vst v63  }
0xbe: {  	s2 =	sshll.u32 s31, $0x3  }
0xbf: {  	s1 =	simm.s32 $0x0;
	s4 =	sand.u32 $0x8, s2  }
.LBB2_15:
0xc0: {  	s9 =	sshll.u32 s1, $0x1  }
0xc1: {  	s10 =	sshllo.u32 s1, $0x1;
	s11 =	sor.u32 s2, s9  }
0xc2: {  	s12 =	sor.u32 s2, s10;
	v7 =	vmov s11  }
0xc3: {  	v6 =	vmov s12;
	_ =	sdelay $0x3  }
0xc4: {  	v13 =	vld.idx.msk [tilespmem:v7+s16+$0x0], $0xffff  }
0xc5: {  	v14 =	vld.idx.msk [tilespmem:v6+s16+$0x0], $0xffff;
	_ =	sdelay $0x3  }
0xc6: {  	v8 =	vxor.u32 $0x80000000, v13  }
0xc7: {  	(xrf0) =	vmax.scan.msk.u32 $0xffff, v8;
	v8 =	vxor.u32 $0x80000000, v14  }
0xc8: {  	(xrf0) =	vmax.scan.msk.u32 $0xffff, v8;
	_ =	sdelay $0x4  }
0xc9: {  	v8, _, _ =	vpop (xrf0)  }
0xca: {  	(v2sf) =	vpush v8, $0xF;
	v8, _, _ =	vpop (xrf0)  }
0xcb: {  	(v2sf) =	vpush v8, $0xF;
	_ =	sdelay $0xd  }
0xcc: {  	s13 =	spop (v2sf)  }
0xcd: {  	s12 =	spop (v2sf)  }
0xce: {  	s11 =	sxor.u32 $0x80000000, s13;
	s12 =	sxor.u32 $0x80000000, s12  }
0xcf: {  	p0 =	sgt.s32 s11, s12  }
0xd0: {  	s12 =	smov.u32 @p0 s11  }
0xd1: {  	s9 =	sor.u32 s4, s9;
	s12 =	sadd.s32 $0x40, s12  }
0xd2: {  	v8 =	vmov s9;
	s9 =	sshra.s32 s12, $0x6  }
0xd3: {  	s13 =	sor.u32 s4, s10;
	p0 =	slt.s32 s9, $0x1  }
.Ltmp6:
0xd4: {  	v10 =	vshrl.u32 v8, $0x3;
	v9 =	vmov s13;
	(pc) =	sbr.rel @p0 .LBB2_20-.Ltmp6, $4  }
0xd5: {  	v15 =	vld.idx.msk [tilespmem:v7+s17+$0x0], $0xffff;
	v8 =	vshll.u32 v8, $0x7;
	v11 =	vmul.u32 $0xC00, v10;
	v10 =	vshrl.u32 v9, $0x3  }
0xd6: {  	v16 =	vld.idx.msk [tilespmem:v6+s17+$0x0], $0xffff;
	v8 =	vand.u32 $0x300, v8;
	v9 =	vshll.u32 v9, $0x7;
	v18 =	vmul.u32 $0xC00, v10  }
0xd7: {  	v17 =	vld.idx.msk [tilespmem:v7+s18+$0x0], $0xffff;
	v11 =	vor.u32 v8, v11;
	s10 =	sshll.u32 s10, $0x9;
	s13 =	sshll.u32 s1, $0xA;
	v9 =	vand.u32 $0x380, v9  }
0xd8: {  	v12 =	vld.idx.msk [tilespmem:v6+s18+$0x0], $0xffff;
	v8 =	vmov s10;
	v10 =	vmov s13;
	v9 =	vor.u32 v9, v18  }
.Ltmp7:
0xd9: {  	_ = 	snop;
	(pc) =	sbr.rel .LBB2_17-.Ltmp7, $3  }
0xda: {  	_ =	sdelay $0x1  }
0xdb: {  	v18 =	vshll.u32 v17, $0x9  }
0xdc: {  	s10 =	simm.s32 $0x0;
	v20 =	vshll.u32 v17, $0xB;
	v19 =	vshll.u32 v12, $0x9;
	v21 =	vshll.u32 v12, $0xB  }
.LBB2_19:
0xdd: {  	vm0 =	veq.s32 v30, v23  }
0xde: {  	v23 =	vadd.s32 v10, v42;
	vm1 =	veq.s32 v31, v22  }
0xdf: {  	v22 =	vadd.s32 v10, v39;
	vm2 =	veq.s32 v32, v24  }
0xe0: {  	v60 =	vadd.s32 v10, v45;
	vm3 =	veq.s32 v34, v27  }
0xe1: {  	v61 =	vadd.s32 v10, v43;
	vm4 =	veq.s32 v35, v25  }
0xe2: {  	v62 =	vadd.s32 v8, v41;
	vm5 =	veq.s32 v36, v26  }
0xe3: {  	vm14 =	veq.s32 v33, v29;
	[tilespmem:v23+s19+$0x0] =	vst.idx.msk vm0, v7;
	v23 =	vadd.s32 v8, v44  }
0xe4: {  	vm15 =	veq.s32 v37, v28;
	s10 =	sadd.s32 $0x1, s10;
	[tilespmem:v22+s19+$0x0] =	vst.idx.msk vm1, v7;
	v22 =	vadd.s32 v8, v40  }
0xe5: {  	v63 =	vadd.s32 v8, v38;
	p0 =	sne.s32 s10, s9;
	[tilespmem:v60+s19+$0x0] =	vst.idx.msk vm2, v7  }
.Ltmp8:
0xe6: {  	[tilespmem:v61+s19+$0x0] =	vst.idx.msk vm3, v7;
	(pc) =	sbr.rel @!p0 .LBB2_20-.Ltmp8, $4  }
0xe7: {  	[tilespmem:v62+s19+$0x0] =	vst.idx.msk vm4, v6  }
0xe8: {  	[tilespmem:v23+s19+$0x0] =	vst.idx.msk vm5, v6  }
0xe9: {  	[tilespmem:v22+s19+$0x0] =	vst.idx.msk vm14, v6  }
0xea: {  	[tilespmem:v63+s19+$0x0] =	vst.idx.msk vm15, v6  }
.LBB2_17:
0xeb: {  	s11 =	sshll.u32 s10, $0x6  }
0xec: {  	v25 =	vor.u32 s11, v0;
	s12 =	sor.u32 $0x10, s11  }
0xed: {  	s13 =	sor.u32 $0x20, s11;
	s11 =	sor.u32 $0x30, s11;
	vm0 =	vlt.s32 v25, $0x168;
	v26 =	vor.u32 s12, v0  }
0xee: {  	v28 =	vor.u32 s13, v0;
	v29 =	vor.u32 s11, v0;
	v22 =	vnsel vm0, $0x168, v25  }
0xef: {  	vm9 =	vlt.s32 v26, $0x168;
	vm10 =	vlt.s32 v28, $0x168;
	vm11 =	vlt.s32 v29, $0x168  }
0xf0: {  	v23 =	vshll.u32 v22, $0x3;
	v22 =	vand.u32 $0x6F, v22;
	v27 =	vnsel vm9, $0x168, v26  }
0xf1: {  	v31 =	vnsel vm10, $0x168, v28;
	v34 =	vnsel vm11, $0x168, v29;
	v23 =	vand.u32 $0xFFFFFC00, v23  }
0xf2: {  	v30 =	vand.u32 $0x7F, v27;
	v27 =	vshll.u32 v27, $0x3;
	v33 =	vshll.u32 v31, $0x3  }
0xf3: {  	v35 =	vshll.u32 v34, $0x3;
	v31 =	vand.u32 $0x6F, v31;
	v24 =	vadd.s32 v11, v23  }
0xf4: {  	v27 =	vand.u32 $0xFFFFFC00, v27;
	v23 =	vadd.s32 v9, v23;
	v24 =	vor.u32 v22, v24  }
0xf5: {  	v33 =	vand.u32 $0xFFFFFC00, v33;
	v32 =	vadd.s32 v11, v27;
	v22 =	vor.u32 v22, v23  }
0xf6: {  	v35 =	vand.u32 $0xFFFFFC00, v35;
	v36 =	vadd.s32 v11, v33;
	v32 =	vor.u32 v30, v32  }
0xf7: {  	v34 =	vand.u32 $0x7F, v34;
	v37 =	vadd.s32 v11, v35;
	v36 =	vor.u32 v31, v36  }
0xf8: {  	v23 =	vadd.s32 v9, v27;
	v37 =	vor.u32 v34, v37  }
0xf9: {  	v23 =	vor.u32 v30, v23;
	v24 =	vld.idx.msk [tilespmem:v24+s23+$0x0], $0xffff  }
0xfa: {  	v50 =	vld.idx.msk [tilespmem:v22+s23+$0x0], $0xffff  }
0xfb: {  	v30 =	vld.idx.msk [tilespmem:v32+s23+$0x0], $0xffff  }
0xfc: {  	v48 =	vld.idx.msk [tilespmem:v36+s23+$0x0], $0xffff  }
0xfd: {  	vm12 =	vlt.s32 v25, v13;
	vm15 =	vlt.s32 v25, v14;
	v49 =	vld.idx.msk [tilespmem:v37+s23+$0x0], $0xffff  }
0xfe: {  	vm1 =	vlt.s32 v26, v13;
	vm13 =	vlt.s32 v28, v13;
	v27 =	vadd.s32 v9, v33;
	v51 =	vld.idx.msk [tilespmem:v23+s23+$0x0], $0xffff  }
0xff: {  	vm14 =	vlt.s32 v29, v13;
	v27 =	vor.u32 v31, v27;
	v31 =	vadd.s32 v9, v35  }
0x100: {  	vm4 =	vlt.s32 v26, v14;
	vm5 =	vlt.s32 v28, v14;
	v31 =	vor.u32 v34, v31  }
0x101: {  	vm6 =	vlt.s32 v29, v14;
	v22 =	vnsel vm12, $0x7FFFFFFF, v24;
	v52 =	vnsel vm15, $0x7FFFFFFF, v50  }
0x102: {  	v24 =	vnsel vm1, $0x7FFFFFFF, v30;
	v23 =	vxor.u32 v15, v22;
	v25 =	vnsel vm14, $0x7FFFFFFF, v49  }
0x103: {  	v26 =	vnsel vm4, $0x7FFFFFFF, v51;
	v22 =	vxor.u32 v15, v24;
	v24 =	vnsel vm13, $0x7FFFFFFF, v48  }
0x104: {  	v30 =	vld.idx.msk [tilespmem:v27+s23+$0x0], $0xffff;
	v27 =	vxor.u32 v15, v25;
	v25 =	vxor.u32 v16, v52;
	v26 =	vxor.u32 v16, v26  }
0x105: {  	v31 =	vld.idx.msk [tilespmem:v31+s23+$0x0], $0xffff;
	vm7 =	vgt.s32 v23, $0x0;
	v24 =	vxor.u32 v15, v24;
	vm8 =	vgt.s32 v22, $0x0  }
0x106: {  	vm10 =	vgt.s32 v27, $0x0;
	vm11 =	vgt.s32 v25, $0x0;
	vm12 =	vgt.s32 v26, $0x0  }
0x107: {  	vm9 =	vgt.s32 v24, $0x0;
	v54 =	vnsel vm10, $0x0, v27;
	v55 =	vnsel vm11, $0x0, v25  }
0x108: {  	v56 =	vnsel vm12, $0x0, v26;
	v53 =	vnsel vm9, $0x0, v24;
	v33 =	vshrl.u32 v54, $0x14  }
0x109: {  	v34 =	vshrl.u32 v55, $0x14;
	v35 =	vshrl.u32 v56, $0x14;
	v33 =	vor.u32 v20, v33  }
0x10a: {  	v28 =	vnsel vm5, $0x7FFFFFFF, v30;
	v30 =	vnsel vm6, $0x7FFFFFFF, v31;
	v34 =	vor.u32 v21, v34  }
0x10b: {  	v31 =	vnsel vm8, $0x0, v22;
	v32 =	vshrl.u32 v53, $0x14;
	v35 =	vor.u32 v21, v35  }
0x10c: {  	v29 =	vxor.u32 v16, v28;
	v31 =	vshrl.u32 v31, $0x14;
	v32 =	vor.u32 v20, v32  }
0x10d: {  	v28 =	vxor.u32 v16, v30;
	v30 =	vnsel vm7, $0x0, v23;
	v31 =	vor.u32 v20, v31  }
0x10e: {  	v30 =	vshrl.u32 v30, $0x14;
	vm13 =	vgt.s32 v29, $0x0;
	v33 =	vld.idx.msk [tilespmem:v33+s20+$0x0], $0xffff  }
0x10f: {  	vm14 =	vgt.s32 v28, $0x0;
	v30 =	vor.u32 v20, v30;
	v57 =	vnsel vm13, $0x0, v29;
	v34 =	vld.idx.msk [tilespmem:v34+s20+$0x0], $0xffff  }
0x110: {  	v58 =	vnsel vm14, $0x0, v28;
	v36 =	vshrl.u32 v57, $0x14;
	v35 =	vld.idx.msk [tilespmem:v35+s20+$0x0], $0xffff  }
0x111: {  	v37 =	vshrl.u32 v58, $0x14;
	v36 =	vor.u32 v21, v36;
	v32 =	vld.idx.msk [tilespmem:v32+s20+$0x0], $0xffff  }
0x112: {  	v37 =	vor.u32 v21, v37;
	v31 =	vld.idx.msk [tilespmem:v31+s20+$0x0], $0xffff  }
0x113: {  	v41 =	vadd.s32 v18, v33  }
0x114: {  	v30 =	vld.idx.msk [tilespmem:v30+s20+$0x0], $0xffff;
	v42 =	vadd.s32 v19, v34  }
0x115: {  	v43 =	vadd.s32 v19, v35  }
0x116: {  	v36 =	vld.idx.msk [tilespmem:v36+s20+$0x0], $0xffff;
	v40 =	vadd.s32 v18, v32  }
0x117: {  	v37 =	vld.idx.msk [tilespmem:v37+s20+$0x0], $0xffff;
	v39 =	vadd.s32 v18, v31  }
0x118: {  	v41 =	vld.idx.msk [tilespmem:v41+s3+$0x0], $0xffff  }
0x119: {  	v38 =	vadd.s32 v18, v30;
	v42 =	vld.idx.msk [tilespmem:v42+s3+$0x0], $0xffff  }
0x11a: {  	v43 =	vld.idx.msk [tilespmem:v43+s3+$0x0], $0xffff  }
0x11b: {  	v44 =	vadd.s32 v19, v36;
	v40 =	vld.idx.msk [tilespmem:v40+s3+$0x0], $0xffff  }
0x11c: {  	v45 =	vadd.s32 v19, v37;
	v39 =	vld.idx.msk [tilespmem:v39+s3+$0x0], $0xffff;
	_ =	sdelay $0x1  }
0x11d: {  	v38 =	vld.idx.msk [tilespmem:v38+s3+$0x0], $0xffff  }
0x11e: {  	vm3 =	vlt.s32 v41, v27;
	vm4 =	vlt.s32 v42, v25  }
0x11f: {  	v44 =	vld.idx.msk [tilespmem:v44+s3+$0x0], $0xffff;
	vm5 =	vlt.s32 v43, v26;
	vm2 =	vlt.s32 v40, v24;
	v62 =	vsel vm3, $0x1, v2  }
0x120: {  	v45 =	vld.idx.msk [tilespmem:v45+s3+$0x0], $0xffff;
	v47 =	vsel vm4, $0x1, v2;
	v49 =	vsel vm5, $0x1, v2;
	vm9 =	vlt.s32 v39, v22  }
0x121: {  	v60 =	vsel vm2, $0x1, v2;
	v33 =	vadd.s32 v62, v33;
	v34 =	vadd.s32 v47, v34  }
0x122: {  	v35 =	vadd.s32 v49, v35;
	vm15 =	vlt.s32 v38, v23;
	v50 =	vadd.s32 v18, v33  }
0x123: {  	v59 =	vsel vm9, $0x1, v2;
	v32 =	vadd.s32 v60, v32;
	v52 =	vadd.s32 v19, v34  }
0x124: {  	v54 =	vadd.s32 v19, v35;
	v38 =	vsel vm15, $0x1, v2;
	v31 =	vadd.s32 v59, v31  }
0x125: {  	v48 =	vadd.s32 v18, v32;
	vm6 =	vlt.s32 v44, v29;
	vm10 =	vlt.s32 v45, v28  }
0x126: {  	v30 =	vadd.s32 v38, v30;
	v63 =	vadd.s32 v18, v31;
	v51 =	vsel vm6, $0x1, v2  }
0x127: {  	v61 =	vadd.s32 v18, v30;
	v53 =	vsel vm10, $0x1, v2;
	v36 =	vadd.s32 v51, v36;
	v42 =	vld.idx.msk [tilespmem:v50+s3+$0x0], $0xffff  }
0x128: {  	v37 =	vadd.s32 v53, v37;
	v56 =	vadd.s32 v19, v36;
	v43 =	vld.idx.msk [tilespmem:v52+s3+$0x0], $0xffff  }
0x129: {  	v57 =	vadd.s32 v19, v37;
	v44 =	vld.idx.msk [tilespmem:v54+s3+$0x0], $0xffff  }
0x12a: {  	v41 =	vld.idx.msk [tilespmem:v48+s3+$0x0], $0xffff  }
0x12b: {  	v55 =	vld.idx.msk [tilespmem:v63+s3+$0x0], $0xffff  }
0x12c: {  	v39 =	vld.idx.msk [tilespmem:v61+s3+$0x0], $0xffff  }
0x12d: {  	v40 =	vld.idx.msk [tilespmem:v56+s3+$0x0], $0xffff  }
0x12e: {  	v45 =	vld.idx.msk [tilespmem:v57+s3+$0x0], $0xffff;
	_ =	sdelay $0x1  }
0x12f: {  	vm14 =	vlt.s32 v42, v27;
	vm15 =	vlt.s32 v43, v25  }
0x130: {  	vm9 =	vlt.s32 v44, v26;
	vm13 =	vlt.s32 v41, v24;
	vm11 =	vlt.s32 v39, v23  }
0x131: {  	vm12 =	vlt.s32 v55, v22;
	v58 =	vsel vm11, $0x1, v2;
	vm10 =	vlt.s32 v40, v29  }
0x132: {  	vm11 =	vlt.s32 v45, v28;
	v38 =	vadd.s32 v58, v30;
	v30 =	vsel vm12, $0x1, v2  }
0x133: {  	v39 =	vadd.s32 v30, v31;
	v30 =	vsel vm13, $0x1, v2;
	v31 =	vadd.s32 v18, v38  }
0x134: {  	v40 =	vadd.s32 v30, v32;
	v30 =	vsel vm14, $0x1, v2;
	v59 =	vadd.s32 v18, v39  }
0x135: {  	v41 =	vadd.s32 v30, v33;
	v30 =	vsel vm15, $0x1, v2;
	v60 =	vadd.s32 v18, v40  }
0x136: {  	v61 =	vadd.s32 v30, v34;
	v30 =	vsel vm9, $0x1, v2;
	v62 =	vadd.s32 v18, v41  }
0x137: {  	v46 =	vadd.s32 v30, v35;
	v30 =	vsel vm10, $0x1, v2;
	v63 =	vadd.s32 v19, v61  }
0x138: {  	v52 =	vsel vm11, $0x1, v2;
	v47 =	vadd.s32 v30, v36;
	v30 =	vld.idx.msk [tilespmem:v31+s3+$0x0], $0xffff;
	v53 =	vadd.s32 v19, v46  }
0x139: {  	v48 =	vadd.s32 v52, v37;
	v31 =	vld.idx.msk [tilespmem:v59+s3+$0x0], $0xffff;
	v54 =	vadd.s32 v19, v47  }
0x13a: {  	v55 =	vadd.s32 v19, v48;
	v32 =	vld.idx.msk [tilespmem:v60+s3+$0x0], $0xffff  }
0x13b: {  	v34 =	vld.idx.msk [tilespmem:v62+s3+$0x0], $0xffff  }
0x13c: {  	v35 =	vld.idx.msk [tilespmem:v63+s3+$0x0], $0xffff  }
0x13d: {  	v36 =	vld.idx.msk [tilespmem:v53+s3+$0x0], $0xffff  }
0x13e: {  	vm0 =	vlt.s32 v30, v23;
	v33 =	vld.idx.msk [tilespmem:v54+s3+$0x0], $0xffff;
	vm1 =	vlt.s32 v31, v22  }
0x13f: {  	v37 =	vld.idx.msk [tilespmem:v55+s3+$0x0], $0xffff;
	vm2 =	vlt.s32 v32, v24;
	vm12 =	vmor vm0, vm1  }
0x140: {  	vm13 =	vlt.s32 v34, v27;
	vm3 =	vmor vm12, vm2  }
0x141: {  	vm14 =	vlt.s32 v35, v25;
	vm3 =	vmor vm3, vm13  }
0x142: {  	vm15 =	vlt.s32 v36, v26;
	vm3 =	vmor vm3, vm14  }
0x143: {  	vm7 =	vlt.s32 v33, v29;
	vm3 =	vmor vm3, vm15  }
0x144: {  	vm8 =	vlt.s32 v37, v28;
	vm3 =	vmor vm3, vm7  }
0x145: {  	vm3 =	vmor vm3, vm8  }
0x146: {  	v56 =	vsel vm3, $0x3F800000, v5  }
0x147: {  	(xrf0) =	vmax.scan.msk.f32 $0xffff, v56;
	_ =	sdelay $0x5  }
0x148: {  	v42, _, _ =	vpop (xrf0)  }
0x149: {  	(v2sf) =	vpush v42, $0xF;
	_ =	sdelay $0xe  }
0x14a: {  	s13 =	spop (v2sf)  }
0x14b: {  	v58 =	vsel vm1, $0x1, v2;
	p0 =	sgt.f32 s13, $0.0e+00  }
.Ltmp9:
0x14c: {  	v57 =	vsel vm0, $0x1, v2;
	v39 =	vadd.s32 v58, v39;
	v59 =	vsel vm2, $0x1, v2;
	(pc) =	sbr.rel @!p0 .LBB2_19-.Ltmp9, $4  }
0x14d: {  	v63 =	vsel vm8, $0x1, v2;
	v60 =	vsel vm13, $0x1, v2;
	v49 =	vsel vm14, $0x1, v2  }
0x14e: {  	v43 =	vadd.s32 v60, v41;
	v41 =	vadd.s32 v49, v61;
	v61 =	vsel vm15, $0x1, v2  }
0x14f: {  	v45 =	vadd.s32 v59, v40;
	v62 =	vsel vm7, $0x1, v2;
	v44 =	vadd.s32 v61, v46  }
0x150: {  	v40 =	vadd.s32 v62, v47;
	v42 =	vadd.s32 v57, v38;
	v38 =	vadd.s32 v63, v48  }
.LBB2_18:
0x151: {  	v30 =	vadd.s32 v18, v42  }
0x152: {  	v31 =	vadd.s32 v18, v39  }
0x153: {  	v32 =	vadd.s32 v18, v45  }
0x154: {  	v33 =	vadd.s32 v18, v43  }
0x155: {  	v35 =	vadd.s32 v19, v41  }
0x156: {  	v36 =	vadd.s32 v19, v44;
	v30 =	vld.idx.msk [tilespmem:v30+s3+$0x0], $0xffff  }
0x157: {  	v37 =	vadd.s32 v19, v40;
	v31 =	vld.idx.msk [tilespmem:v31+s3+$0x0], $0xffff  }
0x158: {  	v46 =	vadd.s32 v19, v38;
	v32 =	vld.idx.msk [tilespmem:v32+s3+$0x0], $0xffff  }
0x159: {  	v34 =	vld.idx.msk [tilespmem:v33+s3+$0x0], $0xffff  }
0x15a: {  	v35 =	vld.idx.msk [tilespmem:v35+s3+$0x0], $0xffff  }
0x15b: {  	v36 =	vld.idx.msk [tilespmem:v36+s3+$0x0], $0xffff  }
0x15c: {  	v33 =	vld.idx.msk [tilespmem:v37+s3+$0x0], $0xffff;
	vm0 =	vlt.s32 v30, v23;
	vm1 =	vlt.s32 v31, v22  }
0x15d: {  	v37 =	vld.idx.msk [tilespmem:v46+s3+$0x0], $0xffff;
	vm2 =	vlt.s32 v32, v24;
	vm3 =	vmor vm0, vm1  }
0x15e: {  	vm4 =	vlt.s32 v34, v27;
	vm3 =	vmor vm3, vm2  }
0x15f: {  	vm5 =	vlt.s32 v35, v25;
	vm3 =	vmor vm3, vm4  }
0x160: {  	vm6 =	vlt.s32 v36, v26;
	vm3 =	vmor vm3, vm5  }
0x161: {  	vm7 =	vlt.s32 v33, v29;
	vm3 =	vmor vm3, vm6  }
0x162: {  	vm8 =	vlt.s32 v37, v28;
	vm3 =	vmor vm3, vm7  }
0x163: {  	vm3 =	vmor vm3, vm8  }
0x164: {  	v57 =	vsel vm3, $0x3F800000, v5  }
0x165: {  	(xrf0) =	vmax.scan.msk.f32 $0xffff, v57;
	_ =	sdelay $0x5  }
0x166: {  	v46, _, _ =	vpop (xrf0)  }
0x167: {  	(v2sf) =	vpush v46, $0xF;
	_ =	sdelay $0xe  }
0x168: {  	s11 =	spop (v2sf)  }
0x169: {  	v58 =	vsel vm0, $0x1, v2;
	p0 =	sgt.f32 s11, $0.0e+00  }
.Ltmp10:
0x16a: {  	v47 =	vsel vm1, $0x1, v2;
	v59 =	vsel vm2, $0x1, v2;
	v60 =	vsel vm4, $0x1, v2;
	(pc) =	sbr.rel @p0 .LBB2_18-.Ltmp10, $4  }
0x16b: {  	v48 =	vsel vm5, $0x1, v2;
	v61 =	vsel vm6, $0x1, v2;
	v62 =	vsel vm7, $0x1, v2  }
0x16c: {  	v63 =	vsel vm8, $0x1, v2;
	v42 =	vadd.s32 v58, v42;
	v39 =	vadd.s32 v47, v39  }
0x16d: {  	v45 =	vadd.s32 v59, v45;
	v43 =	vadd.s32 v60, v43;
	v41 =	vadd.s32 v48, v41  }
0x16e: {  	v44 =	vadd.s32 v61, v44;
	v40 =	vadd.s32 v62, v40;
	v38 =	vadd.s32 v63, v38  }
.Ltmp11:
0x16f: {  	_ = 	snop;
	(pc) =	sbr.rel .LBB2_19-.Ltmp11, $1  }
0x170: {  	_ =	sdelay $0x3  }
.LBB2_20:
0x171: {  	_ = 	snop  }
0x172: {  	s9 =	simm.s32 $0x0;
	s10 =	simm.s32 $0x10  }
0x173: {  	s13 =	simm.s32 $0x20;
	v14 =	vor.u32 s9, v0;
	v19 =	vor.u32 s10, v0  }
0x174: {  	s11 =	simm.s32 $0x30;
	vm0 =	vlt.s32 v14, $0x168;
	v13 =	vmul.u32 $0x180, v17;
	v17 =	vor.u32 s13, v0  }
0x175: {  	v23 =	vor.u32 s11, v0;
	v15 =	vnsel vm0, $0x168, v14;
	vm0 =	vlt.s32 v17, $0x168  }
0x176: {  	v18 =	vand.u32 $0x6F, v15;
	v16 =	vadd.s32 v13, v15;
	v20 =	vnsel vm0, $0x168, v17  }
0x177: {  	vm0 =	vlt.s32 v19, $0x168;
	v16 =	vand.u32 $0xFFFFFF80, v16;
	v21 =	vadd.s32 v13, v20  }
0x178: {  	v22 =	vnsel vm0, $0x168, v19;
	v24 =	vand.u32 $0x6F, v20;
	v16 =	vor.u32 v18, v16  }
0x179: {  	vm0 =	vlt.s32 v23, $0x168;
	v21 =	vand.u32 $0xFFFFFF80, v21;
	v25 =	vadd.s32 v13, v22  }
0x17a: {  	v26 =	vnsel vm0, $0x168, v23;
	v21 =	vor.u32 v24, v21  }
0x17b: {  	v27 =	vadd.s32 v13, v26  }
0x17c: {  	v28 =	vshll.u32 v15, $0x3  }
0x17d: {  	v28 =	vand.u32 $0xC00, v28;
	v29 =	vshll.u32 v20, $0x3;
	v16 =	vld.idx.msk [tilespmem:v16+s22+$0x0], $0xffff  }
0x17e: {  	v30 =	vadd.s32 v11, v28;
	v31 =	vshll.u32 v22, $0x3;
	v29 =	vand.u32 $0x7FFFFC00, v29;
	v25 =	vld.idx.msk [tilespmem:v25+s22+$0x0], $0xffff  }
0x17f: {  	v30 =	vor.u32 v18, v30;
	v31 =	vand.u32 $0x7FFFFC00, v31;
	v32 =	vadd.s32 v11, v29;
	v21 =	vld.idx.msk [tilespmem:v21+s22+$0x0], $0xffff  }
0x180: {  	v34 =	vand.u32 $0x7F, v22;
	v33 =	vadd.s32 v11, v31;
	v32 =	vor.u32 v24, v32;
	v27 =	vld.idx.msk [tilespmem:v27+s22+$0x0], $0xffff  }
0x181: {  	v33 =	vor.u32 v34, v33  }
0x182: {  	v16 =	vadd.s32 v10, v16  }
0x183: {  	v35 =	vshll.u32 v26, $0x3;
	v25 =	vadd.s32 v10, v25  }
0x184: {  	v35 =	vand.u32 $0x7FFFFC00, v35;
	v36 =	vld.idx.msk [tilespmem:v30+s24+$0x0], $0xffff;
	v21 =	vadd.s32 v10, v21  }
0x185: {  	v39 =	vand.u32 $0x7F, v26;
	v37 =	vadd.s32 v11, v35;
	v38 =	vld.idx.msk [tilespmem:v32+s24+$0x0], $0xffff;
	v27 =	vadd.s32 v10, v27  }
0x186: {  	v37 =	vor.u32 v39, v37;
	v40 =	vld.idx.msk [tilespmem:v33+s24+$0x0], $0xffff  }
0x187: {  	v12 =	vmul.u32 $0x180, v12;
	v16 =	vld.idx.msk [tilespmem:v16+s19+$0x0], $0xffff  }
0x188: {  	vm3 =	vlt.u32 v19, $0x169;
	vm0 =	vlt.u32 v14, $0x169;
	v25 =	vld.idx.msk [tilespmem:v25+s19+$0x0], $0xffff  }
0x189: {  	vm1 =	vlt.u32 v23, $0x169;
	v20 =	vadd.s32 v12, v20;
	v14 =	vadd.s32 v12, v15;
	v15 =	vld.idx.msk [tilespmem:v21+s19+$0x0], $0xffff  }
0x18a: {  	vm2 =	vlt.u32 v17, $0x169;
	v20 =	vand.u32 $0xFFFFFF80, v20;
	v14 =	vand.u32 $0xFFFFFF80, v14;
	v27 =	vld.idx.msk [tilespmem:v27+s19+$0x0], $0xffff  }
0x18b: {  	v20 =	vor.u32 v24, v20;
	v14 =	vor.u32 v18, v14;
	v19 =	vld.idx.msk [tilespmem:v37+s24+$0x0], $0xffff;
	v21 =	vadd.s32 v9, v28  }
0x18c: {  	v28 =	vadd.s32 v9, v29;
	v18 =	vor.u32 v18, v21;
	vm4 =	veq.s32 v16, v7  }
0x18d: {  	v21 =	vadd.s32 v12, v22;
	vm5 =	veq.s32 v25, v7;
	v16 =	vsel vm4, $0x0, v36  }
0x18e: {  	s12 =	simm.s32 $0x40;
	v25 =	vadd.s32 v12, v26;
	v17 =	vsel vm5, $0x0, v40;
	vm4 =	veq.s32 v15, v7;
	[tilespmem:v30+s28+$0x0] =	vst.idx.msk vm0, v16  }
0x18f: {  	vm5 =	veq.s32 v27, v7;
	v15 =	vor.u32 s12, v0;
	v16 =	vsel vm4, $0x0, v38;
	[tilespmem:v33+s28+$0x0] =	vst.idx.msk vm3, v17  }
0x190: {  	v22 =	vsel vm5, $0x0, v19;
	vm4 =	vlt.s32 v15, $0x168;
	v17 =	vadd.s32 v9, v35;
	[tilespmem:v32+s28+$0x0] =	vst.idx.msk vm2, v16  }
0x191: {  	v29 =	vadd.s32 v9, v31;
	v16 =	vnsel vm4, $0x168, v15;
	v19 =	vor.u32 v39, v17;
	[tilespmem:v37+s28+$0x0] =	vst.idx.msk vm1, v22  }
0x192: {  	v17 =	vadd.s32 v13, v16;
	v30 =	vshll.u32 v16, $0x3;
	v23 =	vadd.s32 v12, v16;
	v26 =	vld.idx.msk [tilespmem:v14+s22+$0x0], $0xffff  }
0x193: {  	s13 =	simm.s32 $0x60;
	v22 =	vor.u32 v24, v28;
	v24 =	vor.u32 v34, v29;
	v17 =	vand.u32 $0xFFFFFF80, v17;
	v27 =	vld.idx.msk [tilespmem:v21+s22+$0x0], $0xffff  }
0x194: {  	s10 =	simm.s32 $0x50;
	v14 =	vand.u32 $0x6F, v16;
	v16 =	vor.u32 s13, v0;
	v23 =	vand.u32 $0xFFFFFF80, v23;
	v28 =	vld.idx.msk [tilespmem:v20+s22+$0x0], $0xffff  }
0x195: {  	v20 =	vand.u32 $0xC00, v30;
	v29 =	vld.idx.msk [tilespmem:v25+s22+$0x0], $0xffff;
	v21 =	vor.u32 v14, v17;
	v17 =	vor.u32 s10, v0  }
0x196: {  	s9 =	simm.s32 $0x70;
	s10 =	simm.s32 $0xB0;
	vm5 =	vlt.s32 v16, $0x168;
	v25 =	vadd.s32 v11, v20;
	vm4 =	vlt.s32 v17, $0x168  }
.LBB2_21:
0x197: {  	p0 =	sne.s32 s10, $0x170;
	v30 =	vnsel vm5, $0x168, v16;
	v31 =	vadd.s32 v9, v20;
	v26 =	vadd.s32 v8, v26;
	s11 =	smov.u32 s10;
	s10 =	sadd.s32 $0x40, s10  }
0x198: {  	v32 =	vnsel vm4, $0x168, v17;
	v27 =	vadd.s32 v8, v27;
	v20 =	vadd.s32 v13, v30  }
0x199: {  	v28 =	vadd.s32 v8, v28;
	v33 =	vand.u32 $0xFFFFFF80, v20;
	v20 =	vand.u32 $0x6F, v30;
	v34 =	vld.idx.msk [tilespmem:v22+s24+$0x0], $0xffff  }
0x19a: {  	v35 =	vshll.u32 v32, $0x3;
	v29 =	vadd.s32 v8, v29;
	v33 =	vor.u32 v20, v33;
	v36 =	vld.idx.msk [tilespmem:v24+s24+$0x0], $0xffff  }
0x19b: {  	v23 =	vor.u32 v14, v23;
	v37 =	vshll.u32 v30, $0x3;
	v30 =	vadd.s32 v12, v30;
	v38 =	vld.idx.msk [tilespmem:v18+s24+$0x0], $0xffff  }
0x19c: {  	v39 =	vadd.s32 v13, v32;
	v37 =	vand.u32 $0x7FFFFC00, v37;
	v30 =	vand.u32 $0xFFFFFF80, v30;
	v26 =	vld.idx.msk [tilespmem:v26+s19+$0x0], $0xffff  }
0x19d: {  	v35 =	vand.u32 $0x7FFFFC00, v35;
	v40 =	vadd.s32 v11, v37;
	v30 =	vor.u32 v20, v30;
	v27 =	vld.idx.msk [tilespmem:v27+s19+$0x0], $0xffff  }
0x19e: {  	v41 =	vadd.s32 v11, v35;
	v37 =	vadd.s32 v9, v37;
	v28 =	vld.idx.msk [tilespmem:v28+s19+$0x0], $0xffff  }
0x19f: {  	v29 =	vld.idx.msk [tilespmem:v29+s19+$0x0], $0xffff  }
0x1a0: {  	v25 =	vor.u32 v14, v25;
	v42 =	vld.idx.msk [tilespmem:v19+s24+$0x0], $0xffff;
	_ =	sdelay $0x1  }
0x1a1: {  	vm4 =	veq.s32 v26, v6  }
0x1a2: {  	v26 =	vsel vm4, $0x0, v38;
	vm4 =	veq.s32 v27, v6  }
0x1a3: {  	v27 =	vor.u32 s9, v0;
	s9 =	smov.u32 s11;
	[tilespmem:v18+s28+$0x0] =	vst.idx.msk vm0, v26;
	v18 =	vsel vm4, $0x0, v36;
	vm0 =	veq.s32 v28, v6  }
0x1a4: {  	vm4 =	vlt.s32 v27, $0x168;
	[tilespmem:v24+s28+$0x0] =	vst.idx.msk vm3, v18;
	v18 =	vsel vm0, $0x0, v34;
	vm0 =	veq.s32 v29, v6  }
0x1a5: {  	v24 =	vnsel vm4, $0x168, v27;
	[tilespmem:v22+s28+$0x0] =	vst.idx.msk vm2, v18;
	v18 =	vsel vm0, $0x0, v42  }
0x1a6: {  	v34 =	vand.u32 $0x7F, v32;
	v22 =	vadd.s32 v13, v24;
	v26 =	vshll.u32 v24, $0x3;
	[tilespmem:v19+s28+$0x0] =	vst.idx.msk vm1, v18  }
0x1a7: {  	v19 =	vor.u32 v34, v41;
	v26 =	vand.u32 $0x7FFFFC00, v26;
	v18 =	vld.idx.msk [tilespmem:v39+s22+$0x0], $0xffff  }
0x1a8: {  	vm0 =	vlt.u32 v15, $0x169;
	v28 =	vadd.s32 v11, v26;
	v21 =	vld.idx.msk [tilespmem:v21+s22+$0x0], $0xffff  }
0x1a9: {  	v15 =	vld.idx.msk [tilespmem:v25+s24+$0x0], $0xffff  }
0x1aa: {  	v29 =	vld.idx.msk [tilespmem:v33+s22+$0x0], $0xffff  }
0x1ab: {  	v22 =	vld.idx.msk [tilespmem:v22+s22+$0x0], $0xffff  }
0x1ac: {  	v33 =	vor.u32 v20, v40  }
0x1ad: {  	v18 =	vadd.s32 v10, v18  }
0x1ae: {  	v21 =	vadd.s32 v10, v21;
	_ =	sdelay $0x1  }
0x1af: {  	v29 =	vadd.s32 v10, v29  }
0x1b0: {  	v38 =	vand.u32 $0x7F, v24;
	v22 =	vadd.s32 v10, v22;
	v36 =	vld.idx.msk [tilespmem:v33+s24+$0x0], $0xffff  }
0x1b1: {  	v28 =	vor.u32 v38, v28;
	v39 =	vld.idx.msk [tilespmem:v19+s24+$0x0], $0xffff  }
0x1b2: {  	v21 =	vld.idx.msk [tilespmem:v21+s19+$0x0], $0xffff  }
0x1b3: {  	v40 =	vld.idx.msk [tilespmem:v18+s19+$0x0], $0xffff  }
0x1b4: {  	v29 =	vld.idx.msk [tilespmem:v29+s19+$0x0], $0xffff  }
0x1b5: {  	vm3 =	vlt.u32 v17, $0x169;
	v22 =	vld.idx.msk [tilespmem:v22+s19+$0x0], $0xffff  }
0x1b6: {  	vm2 =	vlt.u32 v16, $0x169;
	v18 =	vor.u32 v14, v31;
	v17 =	vld.idx.msk [tilespmem:v28+s24+$0x0], $0xffff  }
0x1b7: {  	vm1 =	vlt.u32 v27, $0x169  }
0x1b8: {  	vm4 =	veq.s32 v21, v7  }
0x1b9: {  	v14 =	vsel vm4, $0x0, v15;
	vm4 =	veq.s32 v40, v7  }
0x1ba: {  	v16 =	vadd.s32 v12, v32;
	[tilespmem:v25+s28+$0x0] =	vst.idx.msk vm0, v14;
	v14 =	vsel vm4, $0x0, v39;
	vm4 =	veq.s32 v29, v7  }
0x1bb: {  	s11 =	sadd.s32 $0xFFFFFFD0, s9;
	[tilespmem:v19+s28+$0x0] =	vst.idx.msk vm3, v14;
	v14 =	vsel vm4, $0x0, v36;
	vm4 =	veq.s32 v22, v7  }
0x1bc: {  	v15 =	vor.u32 s11, v0;
	[tilespmem:v33+s28+$0x0] =	vst.idx.msk vm2, v14;
	v14 =	vsel vm4, $0x0, v17;
	v17 =	vadd.s32 v12, v24  }
0x1bd: {  	vm4 =	vlt.s32 v15, $0x168;
	[tilespmem:v28+s28+$0x0] =	vst.idx.msk vm1, v14;
	v14 =	vadd.s32 v9, v26  }
0x1be: {  	v24 =	vadd.s32 v9, v35;
	v21 =	vnsel vm4, $0x168, v15;
	v26 =	vld.idx.msk [tilespmem:v23+s22+$0x0], $0xffff;
	v19 =	vor.u32 v38, v14  }
.Ltmp12:
0x1bf: {  	s11 =	sadd.s32 $0xFFFFFFE0, s9;
	v14 =	vadd.s32 v13, v21;
	v25 =	vshll.u32 v21, $0x3;
	v23 =	vadd.s32 v12, v21;
	v27 =	vld.idx.msk [tilespmem:v16+s22+$0x0], $0xffff;
	(pc) =	sbr.rel @p0 .LBB2_21-.Ltmp12, $4  }
0x1c0: {  	s12 =	sadd.s32 $0xFFFFFFF0, s9;
	v22 =	vor.u32 v20, v37;
	v29 =	vand.u32 $0xFFFFFF80, v14;
	v14 =	vand.u32 $0x6F, v21;
	v28 =	vld.idx.msk [tilespmem:v30+s22+$0x0], $0xffff  }
0x1c1: {  	v16 =	vor.u32 s12, v0;
	v23 =	vand.u32 $0xFFFFFF80, v23;
	v21 =	vor.u32 v14, v29;
	v29 =	vld.idx.msk [tilespmem:v17+s22+$0x0], $0xffff  }
0x1c2: {  	v24 =	vor.u32 v34, v24;
	v20 =	vand.u32 $0xC00, v25;
	v17 =	vor.u32 s11, v0  }
0x1c3: {  	vm5 =	vlt.s32 v16, $0x168;
	v25 =	vadd.s32 v11, v20;
	vm4 =	vlt.s32 v17, $0x168  }
0x1c4: {  	_ =	sdelay $0x1  }
0x1c5: {  	v26 =	vadd.s32 v8, v26  }
0x1c6: {  	v27 =	vadd.s32 v8, v27  }
0x1c7: {  	v30 =	vld.idx.msk [tilespmem:v22+s24+$0x0], $0xffff;
	v28 =	vadd.s32 v8, v28  }
0x1c8: {  	v31 =	vld.idx.msk [tilespmem:v24+s24+$0x0], $0xffff;
	v29 =	vadd.s32 v8, v29  }
0x1c9: {  	v32 =	vld.idx.msk [tilespmem:v18+s24+$0x0], $0xffff  }
0x1ca: {  	v26 =	vld.idx.msk [tilespmem:v26+s19+$0x0], $0xffff  }
0x1cb: {  	v27 =	vld.idx.msk [tilespmem:v27+s19+$0x0], $0xffff  }
0x1cc: {  	v28 =	vld.idx.msk [tilespmem:v28+s19+$0x0], $0xffff  }
0x1cd: {  	v33 =	vnsel vm5, $0x168, v16;
	v35 =	vnsel vm4, $0x168, v17;
	v29 =	vld.idx.msk [tilespmem:v29+s19+$0x0], $0xffff  }
0x1ce: {  	v37 =	vld.idx.msk [tilespmem:v19+s24+$0x0], $0xffff;
	v49 =	vor.u32 s9, v0;
	v34 =	vadd.s32 v13, v33;
	v36 =	vand.u32 $0x6F, v33  }
0x1cf: {  	v38 =	vadd.s32 v13, v35;
	vm12 =	vlt.s32 v49, $0x168;
	vm9 =	veq.s32 v26, v6  }
0x1d0: {  	v34 =	vand.u32 $0xFFFFFF80, v34;
	vm10 =	veq.s32 v27, v6;
	v26 =	vsel vm9, $0x0, v32  }
0x1d1: {  	v52 =	vnsel vm12, $0x168, v49;
	v50 =	vsel vm10, $0x0, v31;
	vm11 =	veq.s32 v28, v6;
	[tilespmem:v18+s28+$0x0] =	vst.idx.msk vm0, v26  }
0x1d2: {  	v34 =	vor.u32 v36, v34;
	v51 =	vsel vm11, $0x0, v30;
	vm13 =	veq.s32 v29, v6;
	[tilespmem:v24+s28+$0x0] =	vst.idx.msk vm3, v50  }
0x1d3: {  	v54 =	vadd.s32 v13, v52;
	v53 =	vsel vm13, $0x0, v37;
	[tilespmem:v22+s28+$0x0] =	vst.idx.msk vm2, v51  }
0x1d4: {  	[tilespmem:v19+s28+$0x0] =	vst.idx.msk vm1, v53  }
0x1d5: {  	v55 =	vshll.u32 v33, $0x3;
	v19 =	vld.idx.msk [tilespmem:v21+s22+$0x0], $0xffff  }
0x1d6: {  	v56 =	vshll.u32 v35, $0x3;
	v18 =	vand.u32 $0x7FFFFC00, v55;
	v22 =	vld.idx.msk [tilespmem:v38+s22+$0x0], $0xffff  }
0x1d7: {  	v25 =	vor.u32 v14, v25;
	v57 =	vadd.s32 v11, v18;
	v21 =	vand.u32 $0x7FFFFC00, v56;
	v58 =	vld.idx.msk [tilespmem:v34+s22+$0x0], $0xffff  }
0x1d8: {  	v60 =	vand.u32 $0x7F, v35;
	v26 =	vor.u32 v36, v57;
	v13 =	vld.idx.msk [tilespmem:v54+s22+$0x0], $0xffff;
	v59 =	vadd.s32 v11, v21  }
0x1d9: {  	v29 =	vor.u32 v60, v59  }
0x1da: {  	v19 =	vadd.s32 v10, v19  }
0x1db: {  	v61 =	vshll.u32 v52, $0x3;
	v22 =	vadd.s32 v10, v22  }
0x1dc: {  	v31 =	vand.u32 $0x7FFFFC00, v61;
	v62 =	vld.idx.msk [tilespmem:v25+s24+$0x0], $0xffff;
	v28 =	vadd.s32 v10, v58  }
0x1dd: {  	v42 =	vand.u32 $0x7F, v52;
	v63 =	vadd.s32 v11, v31;
	v41 =	vld.idx.msk [tilespmem:v26+s24+$0x0], $0xffff;
	v40 =	vadd.s32 v10, v13  }
0x1de: {  	v11 =	vor.u32 v42, v63;
	v43 =	vld.idx.msk [tilespmem:v29+s24+$0x0], $0xffff  }
0x1df: {  	v19 =	vld.idx.msk [tilespmem:v19+s19+$0x0], $0xffff  }
0x1e0: {  	vm14 =	vlt.u32 v15, $0x169;
	v44 =	vld.idx.msk [tilespmem:v22+s19+$0x0], $0xffff  }
0x1e1: {  	vm15 =	vlt.u32 v17, $0x169;
	v45 =	vld.idx.msk [tilespmem:v28+s19+$0x0], $0xffff  }
0x1e2: {  	vm1 =	vlt.u32 v16, $0x169;
	v10 =	vld.idx.msk [tilespmem:v40+s19+$0x0], $0xffff  }
0x1e3: {  	vm0 =	vlt.u32 v49, $0x169;
	v46 =	vld.idx.msk [tilespmem:v11+s24+$0x0], $0xffff  }
0x1e4: {  	v47 =	vor.u32 v14, v23;
	v48 =	vadd.s32 v12, v33;
	vm8 =	veq.s32 v19, v7  }
0x1e5: {  	v49 =	vand.u32 $0xFFFFFF80, v48;
	vm9 =	veq.s32 v44, v7;
	v50 =	vsel vm8, $0x0, v62  }
0x1e6: {  	v51 =	vadd.s32 v12, v35;
	vm10 =	veq.s32 v45, v7;
	v15 =	vsel vm9, $0x0, v43;
	[tilespmem:v25+s28+$0x0] =	vst.idx.msk vm14, v50  }
0x1e7: {  	v19 =	vor.u32 v36, v49;
	vm11 =	veq.s32 v10, v7;
	v13 =	vsel vm10, $0x0, v41;
	[tilespmem:v29+s28+$0x0] =	vst.idx.msk vm15, v15  }
0x1e8: {  	v52 =	vadd.s32 v12, v52;
	v7 =	vsel vm11, $0x0, v46;
	[tilespmem:v26+s28+$0x0] =	vst.idx.msk vm1, v13  }
0x1e9: {  	[tilespmem:v11+s28+$0x0] =	vst.idx.msk vm0, v7  }
0x1ea: {  	v7 =	vld.idx.msk [tilespmem:v47+s22+$0x0], $0xffff  }
0x1eb: {  	v56 =	vadd.s32 v9, v20;
	v54 =	vld.idx.msk [tilespmem:v51+s22+$0x0], $0xffff  }
0x1ec: {  	v55 =	vadd.s32 v9, v21;
	v57 =	vor.u32 v14, v56;
	v15 =	vld.idx.msk [tilespmem:v19+s22+$0x0], $0xffff  }
0x1ed: {  	v53 =	vadd.s32 v9, v18;
	v13 =	vor.u32 v60, v55;
	v10 =	vld.idx.msk [tilespmem:v52+s22+$0x0], $0xffff  }
0x1ee: {  	v11 =	vor.u32 v36, v53  }
0x1ef: {  	v7 =	vadd.s32 v8, v7  }
0x1f0: {  	v12 =	vadd.s32 v8, v54  }
0x1f1: {  	v62 =	vld.idx.msk [tilespmem:v57+s24+$0x0], $0xffff;
	v15 =	vadd.s32 v8, v15  }
0x1f2: {  	v59 =	vadd.s32 v9, v31;
	v61 =	vld.idx.msk [tilespmem:v13+s24+$0x0], $0xffff;
	v60 =	vadd.s32 v8, v10  }
0x1f3: {  	v9 =	vor.u32 v42, v59;
	v58 =	vld.idx.msk [tilespmem:v11+s24+$0x0], $0xffff  }
0x1f4: {  	v7 =	vld.idx.msk [tilespmem:v7+s19+$0x0], $0xffff  }
0x1f5: {  	v12 =	vld.idx.msk [tilespmem:v12+s19+$0x0], $0xffff  }
0x1f6: {  	v15 =	vld.idx.msk [tilespmem:v15+s19+$0x0], $0xffff  }
0x1f7: {  	v8 =	vld.idx.msk [tilespmem:v60+s19+$0x0], $0xffff  }
0x1f8: {  	s1 =	sadd.s32 $0x1, s1;
	v63 =	vld.idx.msk [tilespmem:v9+s24+$0x0], $0xffff  }
0x1f9: {  	p0 =	sne.s32 s1, $0x4;
	vm12 =	veq.s32 v7, v6  }
.Ltmp13:
0x1fa: {  	vm13 =	veq.s32 v12, v6;
	v7 =	vsel vm12, $0x0, v62;
	(pc) =	sbr.rel @p0 .LBB2_15-.Ltmp13, $4  }
0x1fb: {  	[tilespmem:v57+s28+$0x0] =	vst.idx.msk vm14, v7;
	v7 =	vsel vm13, $0x0, v61;
	vm14 =	veq.s32 v15, v6  }
0x1fc: {  	[tilespmem:v13+s28+$0x0] =	vst.idx.msk vm15, v7;
	v7 =	vsel vm14, $0x0, v58;
	vm15 =	veq.s32 v8, v6  }
0x1fd: {  	[tilespmem:v11+s28+$0x0] =	vst.idx.msk vm1, v7;
	v6 =	vsel vm15, $0x0, v63  }
0x1fe: {  	[tilespmem:v9+s28+$0x0] =	vst.idx.msk vm0, v6  }
0x1ff: {  	s1 =	sshrl.u32 s4, $0x3  }
0x200: {  	s2 =	sadd.s32 s7, s31;
	s1 =	smul.u32 $0x3000, s1  }
0x201: {  	s2 =	smul.u32 $0x180, s2  }
0x202: {  	s1 =	sshrl.u32 s1, $0x2  }
0x203: {  	p1 =	sne.s32 s0, $0x10;
	s2 =	sadd.s32 s8, s2;
	s1 =	sadd.s32 $0x3B80, s1  }
0x204: {  	[hbm4b:s2+s3] =	stream.linear.scatter [tilespmem:s1], [sflag:$0x3], $0xC00, $0x38;
	[tilespmem:$0x7380] =	vst v63  }
.Ltmp14:
0x205: {  	p0 =	seq.s32 s31, $0x0;
	(pc) =	sbr.rel @p1 .LBB2_14-.Ltmp14, $4  }
0x206: {  	s1 =	simm.s32 @!p0 $0x3  }
0x207: {  	_ =	swait.ge @!p0 [sflag:s1], $0xC00  }
0x208: {  	[sflag:s1] =	ssyncset.done @!p0 $0x0  }
0x209: {  	s31 =	smov.u32 s0;
	[sflag:s1] =	ssyncadd.s32 @!p0 $0xFFFFF400  }
0x20a: {  	s30 =	sadd.s32 $0x1, s30  }
0x20b: {  	p0 =	sne.s32 s30, s14  }
.Ltmp15:
0x20c: {  	_ = 	snop;
	(pc) =	sbr.rel @p0 .LBB2_1-.Ltmp15, $4  }
0x20d: {  	_ = 	snop  }
0x20e: {  	_ =	swait.ge [sflag:s29], $0xC00  }
0x20f: {  	[sflag:s29] =	ssyncset.done $0x0  }
0x210: {  	[sflag:s29] =	ssyncadd.s32 $0xFFFFF400  }
0x211: {  	_ =	sfence.sel $0x180000  }
0x212: {  	[bflag:$0x0] =	sbarrier.arrive $0xFFFF  }
0x213: {  	_ =	strace $0x90000047  }
0x214: {  	s0 =	stileid.u32;
	[bflag:$0x2] =	sbarrier.arrive $0xFFFF  }
0x215: {  	p0 =	sne.s32 s0, $0x0;
	s0 =	rddreg [dreg:$0x5]  }
0x216: {  	s0 =	sadd.s32 @!p0 $0x100000, s0  }
0x217: {  	[sflag:s0] =	ssyncadd.tile.s32 @!p0 $0x1;
	_ =	shalt  }
.Lfunc_end2:
_tile_overlayer_lowered:
.L_overlay_start_2:
0x218: {  	(tag) =	ssettag $0x2  }
0x219: {  	s0 =	rddreg [dreg:$0x0];
	s2 =	stileid.u32  }
0x21a: {  	s1 =	rddreg [dreg:$0x1];
	p0 =	sne.s32 s2, $0x0  }
0x21b: {  	s3 =	rddreg [dreg:$0x2];
	[bflag:$0x3] =	sbarrier.arrive $0xFFFF;
	s2 =	simm.s32 @!p0 $0x1C05  }
0x21c: {  	[timem:s3], [sflag:s2] =	dma.local @!p0 [hbm:s0], s1  }
0x21d: {  	s0 =	simm.s32 @!p0 $0x5  }
0x21e: {  	_ =	swait.ge @!p0 [sflag:s0], s1  }
0x21f: {  	s1 =	ssub.s32 @!p0 $0x0, s1;
	[sflag:s0] =	ssyncset.done @!p0 $0x0  }
0x220: {  	[sflag:s0] =	ssyncadd.s32 @!p0 s1  }
0x221: {  	[bflag:$0x3] =	sbarrier.arrive $0xFFFF  }
0x222: {  	_ =	shalt  }

</sc_bundles>
